<compile_context>
chip_gen: v7x
topology: tpu7x:2x2x1
jax: 0.10.2.dev20260603
libtpu: 0.0.44.dev20260713+nightly
codegen_flags: <defaults>
</compile_context>

<pallas_src>
import functools

import jax
import jax.numpy as jnp
from jax import lax
from jax.experimental import pallas as pl
from jax.experimental.pallas import tpu as pltpu
from jax.experimental.pallas import tpu_sc as plsc

_B, _T, _H = 16384, 200, 128
_N = _B * _T
_V = 20
_NC, _NS = 2, 16
_NW = _NC * _NS
_PER_W = _N // _NW
_SUB = 128
_NBUF = 4
_CHUNK = _SUB * _NBUF
_NGRP = _PER_W // _CHUNK
_IDXROWS = _PER_W // _SUB


def _emb_lookup(x2d, emb_weight):
  mesh = plsc.VectorSubcoreMesh(core_axis_name="c", subcore_axis_name="s")

  @functools.partial(
      pl.kernel,
      mesh=mesh,
      out_type=jax.ShapeDtypeStruct((_N, _H), jnp.float32),
      scratch_types=[
          pltpu.VMEM_SHARED((_V, _H), jnp.float32),
          pltpu.VMEM((2, _NBUF, _SUB), jnp.int32),
          pltpu.VMEM((_CHUNK, _H), jnp.float32),
          pltpu.SemaphoreType.DMA,
          pltpu.SemaphoreType.DMA,
          pltpu.SemaphoreType.DMA,
          pltpu.SemaphoreType.DMA,
          pltpu.SemaphoreType.DMA,
          pltpu.SemaphoreType.DMA,
          pltpu.SemaphoreType.DMA,
          pltpu.SemaphoreType.DMA,
          pltpu.SemaphoreType.DMA,
          pltpu.SemaphoreType.DMA,
      ],
  )
  def body(x_hbm, tbl_hbm, out_hbm, tbl_v, idx_v, rows_v,
           g0, g1, g2, g3, s0, s1, s2, s3, i0, i1):
    gsem = (g0, g1, g2, g3)
    ssem = (s0, s1, s2, s3)
    isem = (i0, i1)
    c = lax.axis_index("c")
    s = lax.axis_index("s")
    wid = s * _NC + c
    idxrow0 = wid * _IDXROWS
    outrow0 = wid * _PER_W

    @pl.when(s == 0)
    def _stage():
      pltpu.sync_copy(tbl_hbm, tbl_v)
    plsc.subcore_barrier()

    def idx_src(g):
      off = jnp.minimum(g * _NBUF, _IDXROWS - _NBUF)
      return x_hbm.at[pl.ds(idxrow0 + off, _NBUF)]

    def fire_idx(g, p):
      pltpu.async_copy(idx_src(g), idx_v.at[p], isem[p])

    def wait_idx(g, p):
      pltpu.make_async_copy(idx_src(g), idx_v.at[p], isem[p]).wait()

    def gather_b(g, b, p):
      pltpu.async_copy(
          tbl_v.at[idx_v.at[p].at[b]],
          rows_v.at[pl.ds(b * _SUB, _SUB)],
          gsem[b],
      )

    def wait_gather_b(g, b, p):
      pltpu.make_async_copy(
          tbl_v.at[idx_v.at[p].at[b]],
          rows_v.at[pl.ds(b * _SUB, _SUB)],
          gsem[b],
      ).wait()

    def scatter_b(g, b):
      pltpu.async_copy(
          rows_v.at[pl.ds(b * _SUB, _SUB)],
          out_hbm.at[pl.ds(outrow0 + g * _CHUNK + b * _SUB, _SUB)],
          ssem[b],
      )

    def wait_scatter_b(g, b):
      pltpu.make_async_copy(
          rows_v.at[pl.ds(b * _SUB, _SUB)],
          out_hbm.at[pl.ds(outrow0 + g * _CHUNK + b * _SUB, _SUB)],
          ssem[b],
      ).wait()

    def do_group(g, p, first):
      wait_idx(g, p)
      for b in range(_NBUF):
        if first is not True:
          wait_scatter_b(g - 1, b)
        gather_b(g, b, p)
      for b in range(_NBUF):
        wait_gather_b(g, b, p)
        scatter_b(g, b)
      if first is not False:
        fire_idx(g + 2, p)
      else:
        @pl.when(g + 2 < _NGRP)
        def _pf():
          fire_idx(g + 2, p)

    fire_idx(0, 0)
    fire_idx(1, 1)
    do_group(0, 0, True)
    do_group(1, 1, "peel")

    def step(i, carry):
      do_group(2 * i, 0, False)
      do_group(2 * i + 1, 1, False)
      return carry

    lax.fori_loop(1, _NGRP // 2, step, 0)
    for b in range(_NBUF):
      wait_scatter_b(_NGRP - 1, b)

  return body(x2d, emb_weight)


def kernel(x, emb_weight):
  x2d = x.reshape(_N // _SUB, _SUB).astype(jnp.int32)
  out = _emb_lookup(x2d, emb_weight)
  return out.reshape(_B, _T, _H)

# --- scband reference (transcript-rebuilt; emitter-appended) ---
"""Pipeline reference for scband-type-encoder-22170621182323 (READ-ONLY COPY).

The authoritative reference and input builder live on the scoring server;
editing this copy changes nothing except your own understanding.
"""

import jax, jax.numpy as jnp
import numpy as np

NUM_TYPES = 20
NHIDDEN = 128

def setup_inputs(seed: int = 0) -> dict:
    key = jax.random.key(seed)
    k_idx, k_emb = jax.random.split(key)
    x = jax.random.randint(k_idx, (16384, 200), 0, NUM_TYPES, dtype=jnp.int64 if jax.config.jax_enable_x64 else jnp.int32)
    emb_weight = jax.random.normal(k_emb, (NUM_TYPES, NHIDDEN), dtype=jnp.float32)
    return {"x": x, "emb_weight": emb_weight}

def reference(x, emb_weight):
    # nn.Embedding forward: gather rows of the table by index
    return jnp.take(emb_weight, x, axis=0)

if __name__ == "__main__":
    import jax
    _d = setup_inputs()
    print(jax.jit(kernel)(*tuple(_d.values())))

</pallas_src>

<mosaic_0001>
#map = affine_map<(d0, d1) -> (0, 0)>
module attributes {stable_mosaic.version = 14 : i64} {
  func.func @body(%arg0: i32, %arg1: i32, %arg2: memref<25600x128xi32, #tpu.memory_space<hbm>>, %arg3: memref<20x128xf32, #tpu.memory_space<hbm>>, %arg4: memref<3276800x128xf32, #tpu.memory_space<hbm>>, %arg5: memref<20x128xf32, #tpu.memory_space<vmem_shared>>, %arg6: memref<2x4x128xi32, #tpu.memory_space<vmem>>, %arg7: memref<512x128xf32, #tpu.memory_space<vmem>>, %arg8: memref<!tpu.dma_semaphore, #tpu.memory_space<semaphore_mem>>, %arg9: memref<!tpu.dma_semaphore, #tpu.memory_space<semaphore_mem>>, %arg10: memref<!tpu.dma_semaphore, #tpu.memory_space<semaphore_mem>>, %arg11: memref<!tpu.dma_semaphore, #tpu.memory_space<semaphore_mem>>, %arg12: memref<!tpu.dma_semaphore, #tpu.memory_space<semaphore_mem>>, %arg13: memref<!tpu.dma_semaphore, #tpu.memory_space<semaphore_mem>>, %arg14: memref<!tpu.dma_semaphore, #tpu.memory_space<semaphore_mem>>, %arg15: memref<!tpu.dma_semaphore, #tpu.memory_space<semaphore_mem>>, %arg16: memref<!tpu.dma_semaphore, #tpu.memory_space<semaphore_mem>>, %arg17: memref<!tpu.dma_semaphore, #tpu.memory_space<semaphore_mem>>) attributes {dimension_semantics = [#tpu.dimension_semantics<core_parallel>, #tpu.dimension_semantics<subcore_parallel>], iteration_bounds = array<i64: 2, 16>, scalar_prefetch = 0 : i64, scratch_operands = 13 : i64, tpu.core_type = #tpu.core_type<sc_vector_subcore>, window_params = [{transform_indices = #map}, {transform_indices = #map}, {transform_indices = #map}]} {
    %mul3A = arith.constant 2 : i32
    %mul3A_0 = arith.muli %arg1, %mul3A : i32
    %add3A = arith.addi %mul3A_0, %arg0 : i32
    %mul3A_1 = arith.constant 800 : i32
    %mul3A_2 = arith.muli %add3A, %mul3A_1 : i32
    %mul3A_3 = arith.constant 102400 : i32
    %mul3A_4 = arith.muli %add3A, %mul3A_3 : i32
    %eq3A = arith.constant 0 : i32
    %eq3A_5 = arith.cmpi eq, %arg1, %eq3A : i32
    %convert_element_type3A = arith.extui %eq3A_5 : i1 to i32
    %cond3A = arith.constant 0 : i32
    %cond3A_6 = arith.cmpi ne, %convert_element_type3A, %cond3A : i32
    scf.if %cond3A_6 {
      "tpu.region"() ({
        %run_scoped3A = tpu.sem_alloc : memref<!tpu.dma_semaphore, #tpu.memory_space<semaphore_mem>>
        tpu.enqueue_dma source(%arg3 : memref<20x128xf32, #tpu.memory_space<hbm>>) target(%arg5 : memref<20x128xf32, #tpu.memory_space<vmem_shared>>) target_semaphore(%run_scoped3A : memref<!tpu.dma_semaphore, #tpu.memory_space<semaphore_mem>>)
        tpu.wait_dma2 semaphore(%run_scoped3A : memref<!tpu.dma_semaphore, #tpu.memory_space<semaphore_mem>>) src(%arg3 : memref<20x128xf32, #tpu.memory_space<hbm>>) dst(%arg5 : memref<20x128xf32, #tpu.memory_space<vmem_shared>>)
        tpu.yield
      }) : () -> ()
    } else {
    }
    %barrier3A = arith.constant 0 : index
    tpu.barrier barrier_id(%barrier3A)
    %min3A = arith.constant 0 : i32
    %min3A_7 = arith.constant 796 : i32
    %min3A_8 = arith.minsi %min3A, %min3A_7 : i32
    %add3A_9 = arith.addi %mul3A_2, %min3A_8 : i32
    %dma_start3A = arith.constant 0 : i32
    %dma_start3A_10 = arith.constant 0 : i32
    %dma_start3A_11 = arith.constant 0 : i32
    %dma_start3A_12 = tpu.memref_slice %arg6[%dma_start3A, %dma_start3A_10, %dma_start3A_11] : memref<2x4x128xi32, #tpu.memory_space<vmem>> -> memref<1x4x128xi32, #tpu.memory_space<vmem>>
    %dma_start3A_13 = tpu.memref_squeeze %dma_start3A_12 : memref<1x4x128xi32, #tpu.memory_space<vmem>> -> memref<4x128xi32, #tpu.memory_space<vmem>>
    %dma_start3A_14 = arith.constant 0 : i32
    %dma_start3A_15 = tpu.memref_slice %arg2[%add3A_9, %dma_start3A_14] : memref<25600x128xi32, #tpu.memory_space<hbm>> -> memref<4x128xi32, #tpu.memory_space<hbm>>
    %dma_start3A_16 = arith.constant 0 : i32
    %dma_start3A_17 = arith.constant 0 : i32
    %dma_start3A_18 = tpu.memref_slice %arg6[%dma_start3A, %dma_start3A_16, %dma_start3A_17] : memref<2x4x128xi32, #tpu.memory_space<vmem>> -> memref<1x4x128xi32, #tpu.memory_space<vmem>>
    %dma_start3A_19 = tpu.memref_squeeze %dma_start3A_18 : memref<1x4x128xi32, #tpu.memory_space<vmem>> -> memref<4x128xi32, #tpu.memory_space<vmem>>
    %dma_start3A_20 = arith.constant 0 : i32
    %dma_start3A_21 = tpu.memref_slice %arg2[%add3A_9, %dma_start3A_20] : memref<25600x128xi32, #tpu.memory_space<hbm>> -> memref<4x128xi32, #tpu.memory_space<hbm>>
    tpu.enqueue_dma source(%dma_start3A_21 : memref<4x128xi32, #tpu.memory_space<hbm>>) target(%dma_start3A_19 : memref<4x128xi32, #tpu.memory_space<vmem>>) target_semaphore(%arg16 : memref<!tpu.dma_semaphore, #tpu.memory_space<semaphore_mem>>)
    %min3A_22 = arith.constant 4 : i32
    %min3A_23 = arith.constant 796 : i32
    %min3A_24 = arith.minsi %min3A_22, %min3A_23 : i32
    %add3A_25 = arith.addi %mul3A_2, %min3A_24 : i32
    %dma_start3A_26 = arith.constant 1 : i32
    %dma_start3A_27 = arith.constant 0 : i32
    %dma_start3A_28 = arith.constant 0 : i32
    %dma_start3A_29 = tpu.memref_slice %arg6[%dma_start3A_26, %dma_start3A_27, %dma_start3A_28] : memref<2x4x128xi32, #tpu.memory_space<vmem>> -> memref<1x4x128xi32, #tpu.memory_space<vmem>>
    %dma_start3A_30 = tpu.memref_squeeze %dma_start3A_29 : memref<1x4x128xi32, #tpu.memory_space<vmem>> -> memref<4x128xi32, #tpu.memory_space<vmem>>
    %dma_start3A_31 = arith.constant 0 : i32
    %dma_start3A_32 = tpu.memref_slice %arg2[%add3A_25, %dma_start3A_31] : memref<25600x128xi32, #tpu.memory_space<hbm>> -> memref<4x128xi32, #tpu.memory_space<hbm>>
    %dma_start3A_33 = arith.constant 0 : i32
    %dma_start3A_34 = arith.constant 0 : i32
    %dma_start3A_35 = tpu.memref_slice %arg6[%dma_start3A_26, %dma_start3A_33, %dma_start3A_34] : memref<2x4x128xi32, #tpu.memory_space<vmem>> -> memref<1x4x128xi32, #tpu.memory_space<vmem>>
    %dma_start3A_36 = tpu.memref_squeeze %dma_start3A_35 : memref<1x4x128xi32, #tpu.memory_space<vmem>> -> memref<4x128xi32, #tpu.memory_space<vmem>>
    %dma_start3A_37 = arith.constant 0 : i32
    %dma_start3A_38 = tpu.memref_slice %arg2[%add3A_25, %dma_start3A_37] : memref<25600x128xi32, #tpu.memory_space<hbm>> -> memref<4x128xi32, #tpu.memory_space<hbm>>
    tpu.enqueue_dma source(%dma_start3A_38 : memref<4x128xi32, #tpu.memory_space<hbm>>) target(%dma_start3A_36 : memref<4x128xi32, #tpu.memory_space<vmem>>) target_semaphore(%arg17 : memref<!tpu.dma_semaphore, #tpu.memory_space<semaphore_mem>>)
    %min3A_39 = arith.constant 0 : i32
    %min3A_40 = arith.constant 796 : i32
    %min3A_41 = arith.minsi %min3A_39, %min3A_40 : i32
    %add3A_42 = arith.addi %mul3A_2, %min3A_41 : i32
    %dma_wait3A = arith.constant 0 : i32
    %dma_wait3A_43 = arith.constant 0 : i32
    %dma_wait3A_44 = arith.constant 0 : i32
    %dma_wait3A_45 = tpu.memref_slice %arg6[%dma_wait3A, %dma_wait3A_43, %dma_wait3A_44] : memref<2x4x128xi32, #tpu.memory_space<vmem>> -> memref<1x4x128xi32, #tpu.memory_space<vmem>>
    %dma_wait3A_46 = tpu.memref_squeeze %dma_wait3A_45 : memref<1x4x128xi32, #tpu.memory_space<vmem>> -> memref<4x128xi32, #tpu.memory_space<vmem>>
    %dma_wait3A_47 = arith.constant 0 : i32
    %dma_wait3A_48 = tpu.memref_slice %arg2[%add3A_42, %dma_wait3A_47] : memref<25600x128xi32, #tpu.memory_space<hbm>> -> memref<4x128xi32, #tpu.memory_space<hbm>>
    %dma_wait3A_49 = arith.constant 0 : i32
    %dma_wait3A_50 = arith.constant 0 : i32
    %dma_wait3A_51 = tpu.memref_slice %arg6[%dma_wait3A, %dma_wait3A_49, %dma_wait3A_50] : memref<2x4x128xi32, #tpu.memory_space<vmem>> -> memref<1x4x128xi32, #tpu.memory_space<vmem>>
    %dma_wait3A_52 = tpu.memref_squeeze %dma_wait3A_51 : memref<1x4x128xi32, #tpu.memory_space<vmem>> -> memref<4x128xi32, #tpu.memory_space<vmem>>
    %dma_wait3A_53 = arith.constant 0 : i32
    %dma_wait3A_54 = tpu.memref_slice %arg2[%add3A_42, %dma_wait3A_53] : memref<25600x128xi32, #tpu.memory_space<hbm>> -> memref<4x128xi32, #tpu.memory_space<hbm>>
    tpu.wait_dma2 semaphore(%arg16 : memref<!tpu.dma_semaphore, #tpu.memory_space<semaphore_mem>>) src(%dma_wait3A_54 : memref<4x128xi32, #tpu.memory_space<hbm>>) dst(%dma_wait3A_52 : memref<4x128xi32, #tpu.memory_space<vmem>>)
    %dma_start3A_55 = arith.constant 0 : i32
    %dma_start3A_56 = arith.constant 0 : i32
    %dma_start3A_57 = arith.constant 0 : i32
    %dma_start3A_58 = arith.constant 0 : i32
    %dma_start3A_59 = tpu.memref_slice %arg7[%dma_start3A_57, %dma_start3A_58] : memref<512x128xf32, #tpu.memory_space<vmem>> -> memref<128x128xf32, #tpu.memory_space<vmem>>
    %dma_start3A_60 = arith.constant 0 : i32
    %dma_start3A_61 = arith.constant 0 : i32
    %dma_start3A_62 = tpu.memref_slice %arg6[%dma_start3A_55, %dma_start3A_60, %dma_start3A_61] : memref<2x4x128xi32, #tpu.memory_space<vmem>> -> memref<1x4x128xi32, #tpu.memory_space<vmem>>
    %dma_start3A_63 = tpu.memref_squeeze %dma_start3A_62 : memref<1x4x128xi32, #tpu.memory_space<vmem>> -> memref<4x128xi32, #tpu.memory_space<vmem>>
    %dma_start3A_64 = arith.constant 0 : i32
    %dma_start3A_65 = tpu.memref_slice %dma_start3A_63[%dma_start3A_56, %dma_start3A_64] : memref<4x128xi32, #tpu.memory_space<vmem>> -> memref<1x128xi32, #tpu.memory_space<vmem>>
    %dma_start3A_66 = tpu.memref_squeeze %dma_start3A_65 : memref<1x128xi32, #tpu.memory_space<vmem>> -> memref<128xi32, #tpu.memory_space<vmem>>
    %dma_start3A_67 = arith.constant 0 : i32
    %dma_start3A_68 = arith.constant 0 : i32
    %dma_start3A_69 = tpu.memref_slice %arg5[%dma_start3A_67, %dma_start3A_68] : memref<20x128xf32, #tpu.memory_space<vmem_shared>> -> memref<20x128xf32, #tpu.memory_space<vmem_shared>>
    tpu.enqueue_indirect_dma source(%dma_start3A_69 : memref<20x128xf32, #tpu.memory_space<vmem_shared>>) target(%dma_start3A_59 : memref<128x128xf32, #tpu.memory_space<vmem>>) offsets(%dma_start3A_66 : memref<128xi32, #tpu.memory_space<vmem>>) semaphore(%arg8 : memref<!tpu.dma_semaphore, #tpu.memory_space<semaphore_mem>>)
    %dma_start3A_70 = arith.constant 0 : i32
    %dma_start3A_71 = arith.constant 1 : i32
    %dma_start3A_72 = arith.constant 128 : i32
    %dma_start3A_73 = arith.constant 0 : i32
    %dma_start3A_74 = tpu.memref_slice %arg7[%dma_start3A_72, %dma_start3A_73] : memref<512x128xf32, #tpu.memory_space<vmem>> -> memref<128x128xf32, #tpu.memory_space<vmem>>
    %dma_start3A_75 = arith.constant 0 : i32
    %dma_start3A_76 = arith.constant 0 : i32
    %dma_start3A_77 = tpu.memref_slice %arg6[%dma_start3A_70, %dma_start3A_75, %dma_start3A_76] : memref<2x4x128xi32, #tpu.memory_space<vmem>> -> memref<1x4x128xi32, #tpu.memory_space<vmem>>
    %dma_start3A_78 = tpu.memref_squeeze %dma_start3A_77 : memref<1x4x128xi32, #tpu.memory_space<vmem>> -> memref<4x128xi32, #tpu.memory_space<vmem>>
    %dma_start3A_79 = arith.constant 0 : i32
    %dma_start3A_80 = tpu.memref_slice %dma_start3A_78[%dma_start3A_71, %dma_start3A_79] : memref<4x128xi32, #tpu.memory_space<vmem>> -> memref<1x128xi32, #tpu.memory_space<vmem>>
    %dma_start3A_81 = tpu.memref_squeeze %dma_start3A_80 : memref<1x128xi32, #tpu.memory_space<vmem>> -> memref<128xi32, #tpu.memory_space<vmem>>
    %dma_start3A_82 = arith.constant 0 : i32
    %dma_start3A_83 = arith.constant 0 : i32
    %dma_start3A_84 = tpu.memref_slice %arg5[%dma_start3A_82, %dma_start3A_83] : memref<20x128xf32, #tpu.memory_space<vmem_shared>> -> memref<20x128xf32, #tpu.memory_space<vmem_shared>>
    tpu.enqueue_indirect_dma source(%dma_start3A_84 : memref<20x128xf32, #tpu.memory_space<vmem_shared>>) target(%dma_start3A_74 : memref<128x128xf32, #tpu.memory_space<vmem>>) offsets(%dma_start3A_81 : memref<128xi32, #tpu.memory_space<vmem>>) semaphore(%arg9 : memref<!tpu.dma_semaphore, #tpu.memory_space<semaphore_mem>>)
    %dma_start3A_85 = arith.constant 0 : i32
    %dma_start3A_86 = arith.constant 2 : i32
    %dma_start3A_87 = arith.constant 256 : i32
    %dma_start3A_88 = arith.constant 0 : i32
    %dma_start3A_89 = tpu.memref_slice %arg7[%dma_start3A_87, %dma_start3A_88] : memref<512x128xf32, #tpu.memory_space<vmem>> -> memref<128x128xf32, #tpu.memory_space<vmem>>
    %dma_start3A_90 = arith.constant 0 : i32
    %dma_start3A_91 = arith.constant 0 : i32
    %dma_start3A_92 = tpu.memref_slice %arg6[%dma_start3A_85, %dma_start3A_90, %dma_start3A_91] : memref<2x4x128xi32, #tpu.memory_space<vmem>> -> memref<1x4x128xi32, #tpu.memory_space<vmem>>
    %dma_start3A_93 = tpu.memref_squeeze %dma_start3A_92 : memref<1x4x128xi32, #tpu.memory_space<vmem>> -> memref<4x128xi32, #tpu.memory_space<vmem>>
    %dma_start3A_94 = arith.constant 0 : i32
    %dma_start3A_95 = tpu.memref_slice %dma_start3A_93[%dma_start3A_86, %dma_start3A_94] : memref<4x128xi32, #tpu.memory_space<vmem>> -> memref<1x128xi32, #tpu.memory_space<vmem>>
    %dma_start3A_96 = tpu.memref_squeeze %dma_start3A_95 : memref<1x128xi32, #tpu.memory_space<vmem>> -> memref<128xi32, #tpu.memory_space<vmem>>
    %dma_start3A_97 = arith.constant 0 : i32
    %dma_start3A_98 = arith.constant 0 : i32
    %dma_start3A_99 = tpu.memref_slice %arg5[%dma_start3A_97, %dma_start3A_98] : memref<20x128xf32, #tpu.memory_space<vmem_shared>> -> memref<20x128xf32, #tpu.memory_space<vmem_shared>>
    tpu.enqueue_indirect_dma source(%dma_start3A_99 : memref<20x128xf32, #tpu.memory_space<vmem_shared>>) target(%dma_start3A_89 : memref<128x128xf32, #tpu.memory_space<vmem>>) offsets(%dma_start3A_96 : memref<128xi32, #tpu.memory_space<vmem>>) semaphore(%arg10 : memref<!tpu.dma_semaphore, #tpu.memory_space<semaphore_mem>>)
    %dma_start3A_100 = arith.constant 0 : i32
    %dma_start3A_101 = arith.constant 3 : i32
    %dma_start3A_102 = arith.constant 384 : i32
    %dma_start3A_103 = arith.constant 0 : i32
    %dma_start3A_104 = tpu.memref_slice %arg7[%dma_start3A_102, %dma_start3A_103] : memref<512x128xf32, #tpu.memory_space<vmem>> -> memref<128x128xf32, #tpu.memory_space<vmem>>
    %dma_start3A_105 = arith.constant 0 : i32
    %dma_start3A_106 = arith.constant 0 : i32
    %dma_start3A_107 = tpu.memref_slice %arg6[%dma_start3A_100, %dma_start3A_105, %dma_start3A_106] : memref<2x4x128xi32, #tpu.memory_space<vmem>> -> memref<1x4x128xi32, #tpu.memory_space<vmem>>
    %dma_start3A_108 = tpu.memref_squeeze %dma_start3A_107 : memref<1x4x128xi32, #tpu.memory_space<vmem>> -> memref<4x128xi32, #tpu.memory_space<vmem>>
    %dma_start3A_109 = arith.constant 0 : i32
    %dma_start3A_110 = tpu.memref_slice %dma_start3A_108[%dma_start3A_101, %dma_start3A_109] : memref<4x128xi32, #tpu.memory_space<vmem>> -> memref<1x128xi32, #tpu.memory_space<vmem>>
    %dma_start3A_111 = tpu.memref_squeeze %dma_start3A_110 : memref<1x128xi32, #tpu.memory_space<vmem>> -> memref<128xi32, #tpu.memory_space<vmem>>
    %dma_start3A_112 = arith.constant 0 : i32
    %dma_start3A_113 = arith.constant 0 : i32
    %dma_start3A_114 = tpu.memref_slice %arg5[%dma_start3A_112, %dma_start3A_113] : memref<20x128xf32, #tpu.memory_space<vmem_shared>> -> memref<20x128xf32, #tpu.memory_space<vmem_shared>>
    tpu.enqueue_indirect_dma source(%dma_start3A_114 : memref<20x128xf32, #tpu.memory_space<vmem_shared>>) target(%dma_start3A_104 : memref<128x128xf32, #tpu.memory_space<vmem>>) offsets(%dma_start3A_111 : memref<128xi32, #tpu.memory_space<vmem>>) semaphore(%arg11 : memref<!tpu.dma_semaphore, #tpu.memory_space<semaphore_mem>>)
    %dma_wait3A_115 = arith.constant 0 : i32
    %dma_wait3A_116 = arith.constant 0 : i32
    %dma_wait3A_117 = arith.constant 0 : i32
    %dma_wait3A_118 = arith.constant 0 : i32
    %dma_wait3A_119 = tpu.memref_slice %arg7[%dma_wait3A_117, %dma_wait3A_118] : memref<512x128xf32, #tpu.memory_space<vmem>> -> memref<128x128xf32, #tpu.memory_space<vmem>>
    %dma_wait3A_120 = arith.constant 0 : i32
    %dma_wait3A_121 = arith.constant 0 : i32
    %dma_wait3A_122 = tpu.memref_slice %arg6[%dma_wait3A_115, %dma_wait3A_120, %dma_wait3A_121] : memref<2x4x128xi32, #tpu.memory_space<vmem>> -> memref<1x4x128xi32, #tpu.memory_space<vmem>>
    %dma_wait3A_123 = tpu.memref_squeeze %dma_wait3A_122 : memref<1x4x128xi32, #tpu.memory_space<vmem>> -> memref<4x128xi32, #tpu.memory_space<vmem>>
    %dma_wait3A_124 = arith.constant 0 : i32
    %dma_wait3A_125 = tpu.memref_slice %dma_wait3A_123[%dma_wait3A_116, %dma_wait3A_124] : memref<4x128xi32, #tpu.memory_space<vmem>> -> memref<1x128xi32, #tpu.memory_space<vmem>>
    %dma_wait3A_126 = tpu.memref_squeeze %dma_wait3A_125 : memref<1x128xi32, #tpu.memory_space<vmem>> -> memref<128xi32, #tpu.memory_space<vmem>>
    %dma_wait3A_127 = arith.constant 0 : i32
    %dma_wait3A_128 = arith.constant 0 : i32
    %dma_wait3A_129 = tpu.memref_slice %arg5[%dma_wait3A_127, %dma_wait3A_128] : memref<20x128xf32, #tpu.memory_space<vmem_shared>> -> memref<20x128xf32, #tpu.memory_space<vmem_shared>>
    tpu.wait_indirect_dma semaphore(%arg8 : memref<!tpu.dma_semaphore, #tpu.memory_space<semaphore_mem>>) src(%dma_wait3A_129 : memref<20x128xf32, #tpu.memory_space<vmem_shared>>) dst(%dma_wait3A_119 : memref<128x128xf32, #tpu.memory_space<vmem>>)
    %add3A_130 = arith.constant 0 : i32
    %add3A_131 = arith.addi %mul3A_4, %add3A_130 : i32
    %add3A_132 = arith.constant 0 : i32
    %add3A_133 = arith.addi %add3A_131, %add3A_132 : i32
    %dma_start3A_134 = arith.constant 0 : i32
    %dma_start3A_135 = arith.constant 0 : i32
    %dma_start3A_136 = tpu.memref_slice %arg7[%dma_start3A_134, %dma_start3A_135] : memref<512x128xf32, #tpu.memory_space<vmem>> -> memref<128x128xf32, #tpu.memory_space<vmem>>
    %dma_start3A_137 = arith.constant 0 : i32
    %dma_start3A_138 = tpu.memref_slice %arg4[%add3A_133, %dma_start3A_137] : memref<3276800x128xf32, #tpu.memory_space<hbm>> -> memref<128x128xf32, #tpu.memory_space<hbm>>
    %dma_start3A_139 = arith.constant 0 : i32
    %dma_start3A_140 = tpu.memref_slice %arg4[%add3A_133, %dma_start3A_139] : memref<3276800x128xf32, #tpu.memory_space<hbm>> -> memref<128x128xf32, #tpu.memory_space<hbm>>
    %dma_start3A_141 = arith.constant 0 : i32
    %dma_start3A_142 = arith.constant 0 : i32
    %dma_start3A_143 = tpu.memref_slice %arg7[%dma_start3A_141, %dma_start3A_142] : memref<512x128xf32, #tpu.memory_space<vmem>> -> memref<128x128xf32, #tpu.memory_space<vmem>>
    tpu.enqueue_dma source(%dma_start3A_143 : memref<128x128xf32, #tpu.memory_space<vmem>>) target(%dma_start3A_140 : memref<128x128xf32, #tpu.memory_space<hbm>>) target_semaphore(%arg12 : memref<!tpu.dma_semaphore, #tpu.memory_space<semaphore_mem>>)
    %dma_wait3A_144 = arith.constant 0 : i32
    %dma_wait3A_145 = arith.constant 1 : i32
    %dma_wait3A_146 = arith.constant 128 : i32
    %dma_wait3A_147 = arith.constant 0 : i32
    %dma_wait3A_148 = tpu.memref_slice %arg7[%dma_wait3A_146, %dma_wait3A_147] : memref<512x128xf32, #tpu.memory_space<vmem>> -> memref<128x128xf32, #tpu.memory_space<vmem>>
    %dma_wait3A_149 = arith.constant 0 : i32
    %dma_wait3A_150 = arith.constant 0 : i32
    %dma_wait3A_151 = tpu.memref_slice %arg6[%dma_wait3A_144, %dma_wait3A_149, %dma_wait3A_150] : memref<2x4x128xi32, #tpu.memory_space<vmem>> -> memref<1x4x128xi32, #tpu.memory_space<vmem>>
    %dma_wait3A_152 = tpu.memref_squeeze %dma_wait3A_151 : memref<1x4x128xi32, #tpu.memory_space<vmem>> -> memref<4x128xi32, #tpu.memory_space<vmem>>
    %dma_wait3A_153 = arith.constant 0 : i32
    %dma_wait3A_154 = tpu.memref_slice %dma_wait3A_152[%dma_wait3A_145, %dma_wait3A_153] : memref<4x128xi32, #tpu.memory_space<vmem>> -> memref<1x128xi32, #tpu.memory_space<vmem>>
    %dma_wait3A_155 = tpu.memref_squeeze %dma_wait3A_154 : memref<1x128xi32, #tpu.memory_space<vmem>> -> memref<128xi32, #tpu.memory_space<vmem>>
    %dma_wait3A_156 = arith.constant 0 : i32
    %dma_wait3A_157 = arith.constant 0 : i32
    %dma_wait3A_158 = tpu.memref_slice %arg5[%dma_wait3A_156, %dma_wait3A_157] : memref<20x128xf32, #tpu.memory_space<vmem_shared>> -> memref<20x128xf32, #tpu.memory_space<vmem_shared>>
    tpu.wait_indirect_dma semaphore(%arg9 : memref<!tpu.dma_semaphore, #tpu.memory_space<semaphore_mem>>) src(%dma_wait3A_158 : memref<20x128xf32, #tpu.memory_space<vmem_shared>>) dst(%dma_wait3A_148 : memref<128x128xf32, #tpu.memory_space<vmem>>)
    %add3A_159 = arith.constant 0 : i32
    %add3A_160 = arith.addi %mul3A_4, %add3A_159 : i32
    %add3A_161 = arith.constant 128 : i32
    %add3A_162 = arith.addi %add3A_160, %add3A_161 : i32
    %dma_start3A_163 = arith.constant 128 : i32
    %dma_start3A_164 = arith.constant 0 : i32
    %dma_start3A_165 = tpu.memref_slice %arg7[%dma_start3A_163, %dma_start3A_164] : memref<512x128xf32, #tpu.memory_space<vmem>> -> memref<128x128xf32, #tpu.memory_space<vmem>>
    %dma_start3A_166 = arith.constant 0 : i32
    %dma_start3A_167 = tpu.memref_slice %arg4[%add3A_162, %dma_start3A_166] : memref<3276800x128xf32, #tpu.memory_space<hbm>> -> memref<128x128xf32, #tpu.memory_space<hbm>>
    %dma_start3A_168 = arith.constant 0 : i32
    %dma_start3A_169 = tpu.memref_slice %arg4[%add3A_162, %dma_start3A_168] : memref<3276800x128xf32, #tpu.memory_space<hbm>> -> memref<128x128xf32, #tpu.memory_space<hbm>>
    %dma_start3A_170 = arith.constant 128 : i32
    %dma_start3A_171 = arith.constant 0 : i32
    %dma_start3A_172 = tpu.memref_slice %arg7[%dma_start3A_170, %dma_start3A_171] : memref<512x128xf32, #tpu.memory_space<vmem>> -> memref<128x128xf32, #tpu.memory_space<vmem>>
    tpu.enqueue_dma source(%dma_start3A_172 : memref<128x128xf32, #tpu.memory_space<vmem>>) target(%dma_start3A_169 : memref<128x128xf32, #tpu.memory_space<hbm>>) target_semaphore(%arg13 : memref<!tpu.dma_semaphore, #tpu.memory_space<semaphore_mem>>)
    %dma_wait3A_173 = arith.constant 0 : i32
    %dma_wait3A_174 = arith.constant 2 : i32
    %dma_wait3A_175 = arith.constant 256 : i32
    %dma_wait3A_176 = arith.constant 0 : i32
    %dma_wait3A_177 = tpu.memref_slice %arg7[%dma_wait3A_175, %dma_wait3A_176] : memref<512x128xf32, #tpu.memory_space<vmem>> -> memref<128x128xf32, #tpu.memory_space<vmem>>
    %dma_wait3A_178 = arith.constant 0 : i32
    %dma_wait3A_179 = arith.constant 0 : i32
    %dma_wait3A_180 = tpu.memref_slice %arg6[%dma_wait3A_173, %dma_wait3A_178, %dma_wait3A_179] : memref<2x4x128xi32, #tpu.memory_space<vmem>> -> memref<1x4x128xi32, #tpu.memory_space<vmem>>
    %dma_wait3A_181 = tpu.memref_squeeze %dma_wait3A_180 : memref<1x4x128xi32, #tpu.memory_space<vmem>> -> memref<4x128xi32, #tpu.memory_space<vmem>>
    %dma_wait3A_182 = arith.constant 0 : i32
    %dma_wait3A_183 = tpu.memref_slice %dma_wait3A_181[%dma_wait3A_174, %dma_wait3A_182] : memref<4x128xi32, #tpu.memory_space<vmem>> -> memref<1x128xi32, #tpu.memory_space<vmem>>
    %dma_wait3A_184 = tpu.memref_squeeze %dma_wait3A_183 : memref<1x128xi32, #tpu.memory_space<vmem>> -> memref<128xi32, #tpu.memory_space<vmem>>
    %dma_wait3A_185 = arith.constant 0 : i32
    %dma_wait3A_186 = arith.constant 0 : i32
    %dma_wait3A_187 = tpu.memref_slice %arg5[%dma_wait3A_185, %dma_wait3A_186] : memref<20x128xf32, #tpu.memory_space<vmem_shared>> -> memref<20x128xf32, #tpu.memory_space<vmem_shared>>
    tpu.wait_indirect_dma semaphore(%arg10 : memref<!tpu.dma_semaphore, #tpu.memory_space<semaphore_mem>>) src(%dma_wait3A_187 : memref<20x128xf32, #tpu.memory_space<vmem_shared>>) dst(%dma_wait3A_177 : memref<128x128xf32, #tpu.memory_space<vmem>>)
    %add3A_188 = arith.constant 0 : i32
    %add3A_189 = arith.addi %mul3A_4, %add3A_188 : i32
    %add3A_190 = arith.constant 256 : i32
    %add3A_191 = arith.addi %add3A_189, %add3A_190 : i32
    %dma_start3A_192 = arith.constant 256 : i32
    %dma_start3A_193 = arith.constant 0 : i32
    %dma_start3A_194 = tpu.memref_slice %arg7[%dma_start3A_192, %dma_start3A_193] : memref<512x128xf32, #tpu.memory_space<vmem>> -> memref<128x128xf32, #tpu.memory_space<vmem>>
    %dma_start3A_195 = arith.constant 0 : i32
    %dma_start3A_196 = tpu.memref_slice %arg4[%add3A_191, %dma_start3A_195] : memref<3276800x128xf32, #tpu.memory_space<hbm>> -> memref<128x128xf32, #tpu.memory_space<hbm>>
    %dma_start3A_197 = arith.constant 0 : i32
    %dma_start3A_198 = tpu.memref_slice %arg4[%add3A_191, %dma_start3A_197] : memref<3276800x128xf32, #tpu.memory_space<hbm>> -> memref<128x128xf32, #tpu.memory_space<hbm>>
    %dma_start3A_199 = arith.constant 256 : i32
    %dma_start3A_200 = arith.constant 0 : i32
    %dma_start3A_201 = tpu.memref_slice %arg7[%dma_start3A_199, %dma_start3A_200] : memref<512x128xf32, #tpu.memory_space<vmem>> -> memref<128x128xf32, #tpu.memory_space<vmem>>
    tpu.enqueue_dma source(%dma_start3A_201 : memref<128x128xf32, #tpu.memory_space<vmem>>) target(%dma_start3A_198 : memref<128x128xf32, #tpu.memory_space<hbm>>) target_semaphore(%arg14 : memref<!tpu.dma_semaphore, #tpu.memory_space<semaphore_mem>>)
    %dma_wait3A_202 = arith.constant 0 : i32
    %dma_wait3A_203 = arith.constant 3 : i32
    %dma_wait3A_204 = arith.constant 384 : i32
    %dma_wait3A_205 = arith.constant 0 : i32
    %dma_wait3A_206 = tpu.memref_slice %arg7[%dma_wait3A_204, %dma_wait3A_205] : memref<512x128xf32, #tpu.memory_space<vmem>> -> memref<128x128xf32, #tpu.memory_space<vmem>>
    %dma_wait3A_207 = arith.constant 0 : i32
    %dma_wait3A_208 = arith.constant 0 : i32
    %dma_wait3A_209 = tpu.memref_slice %arg6[%dma_wait3A_202, %dma_wait3A_207, %dma_wait3A_208] : memref<2x4x128xi32, #tpu.memory_space<vmem>> -> memref<1x4x128xi32, #tpu.memory_space<vmem>>
    %dma_wait3A_210 = tpu.memref_squeeze %dma_wait3A_209 : memref<1x4x128xi32, #tpu.memory_space<vmem>> -> memref<4x128xi32, #tpu.memory_space<vmem>>
    %dma_wait3A_211 = arith.constant 0 : i32
    %dma_wait3A_212 = tpu.memref_slice %dma_wait3A_210[%dma_wait3A_203, %dma_wait3A_211] : memref<4x128xi32, #tpu.memory_space<vmem>> -> memref<1x128xi32, #tpu.memory_space<vmem>>
    %dma_wait3A_213 = tpu.memref_squeeze %dma_wait3A_212 : memref<1x128xi32, #tpu.memory_space<vmem>> -> memref<128xi32, #tpu.memory_space<vmem>>
    %dma_wait3A_214 = arith.constant 0 : i32
    %dma_wait3A_215 = arith.constant 0 : i32
    %dma_wait3A_216 = tpu.memref_slice %arg5[%dma_wait3A_214, %dma_wait3A_215] : memref<20x128xf32, #tpu.memory_space<vmem_shared>> -> memref<20x128xf32, #tpu.memory_space<vmem_shared>>
    tpu.wait_indirect_dma semaphore(%arg11 : memref<!tpu.dma_semaphore, #tpu.memory_space<semaphore_mem>>) src(%dma_wait3A_216 : memref<20x128xf32, #tpu.memory_space<vmem_shared>>) dst(%dma_wait3A_206 : memref<128x128xf32, #tpu.memory_space<vmem>>)
    %add3A_217 = arith.constant 0 : i32
    %add3A_218 = arith.addi %mul3A_4, %add3A_217 : i32
    %add3A_219 = arith.constant 384 : i32
    %add3A_220 = arith.addi %add3A_218, %add3A_219 : i32
    %dma_start3A_221 = arith.constant 384 : i32
    %dma_start3A_222 = arith.constant 0 : i32
    %dma_start3A_223 = tpu.memref_slice %arg7[%dma_start3A_221, %dma_start3A_222] : memref<512x128xf32, #tpu.memory_space<vmem>> -> memref<128x128xf32, #tpu.memory_space<vmem>>
    %dma_start3A_224 = arith.constant 0 : i32
    %dma_start3A_225 = tpu.memref_slice %arg4[%add3A_220, %dma_start3A_224] : memref<3276800x128xf32, #tpu.memory_space<hbm>> -> memref<128x128xf32, #tpu.memory_space<hbm>>
    %dma_start3A_226 = arith.constant 0 : i32
    %dma_start3A_227 = tpu.memref_slice %arg4[%add3A_220, %dma_start3A_226] : memref<3276800x128xf32, #tpu.memory_space<hbm>> -> memref<128x128xf32, #tpu.memory_space<hbm>>
    %dma_start3A_228 = arith.constant 384 : i32
    %dma_start3A_229 = arith.constant 0 : i32
    %dma_start3A_230 = tpu.memref_slice %arg7[%dma_start3A_228, %dma_start3A_229] : memref<512x128xf32, #tpu.memory_space<vmem>> -> memref<128x128xf32, #tpu.memory_space<vmem>>
    tpu.enqueue_dma source(%dma_start3A_230 : memref<128x128xf32, #tpu.memory_space<vmem>>) target(%dma_start3A_227 : memref<128x128xf32, #tpu.memory_space<hbm>>) target_semaphore(%arg15 : memref<!tpu.dma_semaphore, #tpu.memory_space<semaphore_mem>>)
    %min3A_231 = arith.constant 8 : i32
    %min3A_232 = arith.constant 796 : i32
    %min3A_233 = arith.minsi %min3A_231, %min3A_232 : i32
    %add3A_234 = arith.addi %mul3A_2, %min3A_233 : i32
    %dma_start3A_235 = arith.constant 0 : i32
    %dma_start3A_236 = arith.constant 0 : i32
    %dma_start3A_237 = arith.constant 0 : i32
    %dma_start3A_238 = tpu.memref_slice %arg6[%dma_start3A_235, %dma_start3A_236, %dma_start3A_237] : memref<2x4x128xi32, #tpu.memory_space<vmem>> -> memref<1x4x128xi32, #tpu.memory_space<vmem>>
    %dma_start3A_239 = tpu.memref_squeeze %dma_start3A_238 : memref<1x4x128xi32, #tpu.memory_space<vmem>> -> memref<4x128xi32, #tpu.memory_space<vmem>>
    %dma_start3A_240 = arith.constant 0 : i32
    %dma_start3A_241 = tpu.memref_slice %arg2[%add3A_234, %dma_start3A_240] : memref<25600x128xi32, #tpu.memory_space<hbm>> -> memref<4x128xi32, #tpu.memory_space<hbm>>
    %dma_start3A_242 = arith.constant 0 : i32
    %dma_start3A_243 = arith.constant 0 : i32
    %dma_start3A_244 = tpu.memref_slice %arg6[%dma_start3A_235, %dma_start3A_242, %dma_start3A_243] : memref<2x4x128xi32, #tpu.memory_space<vmem>> -> memref<1x4x128xi32, #tpu.memory_space<vmem>>
    %dma_start3A_245 = tpu.memref_squeeze %dma_start3A_244 : memref<1x4x128xi32, #tpu.memory_space<vmem>> -> memref<4x128xi32, #tpu.memory_space<vmem>>
    %dma_start3A_246 = arith.constant 0 : i32
    %dma_start3A_247 = tpu.memref_slice %arg2[%add3A_234, %dma_start3A_246] : memref<25600x128xi32, #tpu.memory_space<hbm>> -> memref<4x128xi32, #tpu.memory_space<hbm>>
    tpu.enqueue_dma source(%dma_start3A_247 : memref<4x128xi32, #tpu.memory_space<hbm>>) target(%dma_start3A_245 : memref<4x128xi32, #tpu.memory_space<vmem>>) target_semaphore(%arg16 : memref<!tpu.dma_semaphore, #tpu.memory_space<semaphore_mem>>)
    %min3A_248 = arith.constant 4 : i32
    %min3A_249 = arith.constant 796 : i32
    %min3A_250 = arith.minsi %min3A_248, %min3A_249 : i32
    %add3A_251 = arith.addi %mul3A_2, %min3A_250 : i32
    %dma_wait3A_252 = arith.constant 1 : i32
    %dma_wait3A_253 = arith.constant 0 : i32
    %dma_wait3A_254 = arith.constant 0 : i32
    %dma_wait3A_255 = tpu.memref_slice %arg6[%dma_wait3A_252, %dma_wait3A_253, %dma_wait3A_254] : memref<2x4x128xi32, #tpu.memory_space<vmem>> -> memref<1x4x128xi32, #tpu.memory_space<vmem>>
    %dma_wait3A_256 = tpu.memref_squeeze %dma_wait3A_255 : memref<1x4x128xi32, #tpu.memory_space<vmem>> -> memref<4x128xi32, #tpu.memory_space<vmem>>
    %dma_wait3A_257 = arith.constant 0 : i32
    %dma_wait3A_258 = tpu.memref_slice %arg2[%add3A_251, %dma_wait3A_257] : memref<25600x128xi32, #tpu.memory_space<hbm>> -> memref<4x128xi32, #tpu.memory_space<hbm>>
    %dma_wait3A_259 = arith.constant 0 : i32
    %dma_wait3A_260 = arith.constant 0 : i32
    %dma_wait3A_261 = tpu.memref_slice %arg6[%dma_wait3A_252, %dma_wait3A_259, %dma_wait3A_260] : memref<2x4x128xi32, #tpu.memory_space<vmem>> -> memref<1x4x128xi32, #tpu.memory_space<vmem>>
    %dma_wait3A_262 = tpu.memref_squeeze %dma_wait3A_261 : memref<1x4x128xi32, #tpu.memory_space<vmem>> -> memref<4x128xi32, #tpu.memory_space<vmem>>
    %dma_wait3A_263 = arith.constant 0 : i32
    %dma_wait3A_264 = tpu.memref_slice %arg2[%add3A_251, %dma_wait3A_263] : memref<25600x128xi32, #tpu.memory_space<hbm>> -> memref<4x128xi32, #tpu.memory_space<hbm>>
    tpu.wait_dma2 semaphore(%arg17 : memref<!tpu.dma_semaphore, #tpu.memory_space<semaphore_mem>>) src(%dma_wait3A_264 : memref<4x128xi32, #tpu.memory_space<hbm>>) dst(%dma_wait3A_262 : memref<4x128xi32, #tpu.memory_space<vmem>>)
    %add3A_265 = arith.constant 0 : i32
    %add3A_266 = arith.addi %mul3A_4, %add3A_265 : i32
    %add3A_267 = arith.constant 0 : i32
    %add3A_268 = arith.addi %add3A_266, %add3A_267 : i32
    %dma_wait3A_269 = arith.constant 0 : i32
    %dma_wait3A_270 = arith.constant 0 : i32
    %dma_wait3A_271 = tpu.memref_slice %arg7[%dma_wait3A_269, %dma_wait3A_270] : memref<512x128xf32, #tpu.memory_space<vmem>> -> memref<128x128xf32, #tpu.memory_space<vmem>>
    %dma_wait3A_272 = arith.constant 0 : i32
    %dma_wait3A_273 = tpu.memref_slice %arg4[%add3A_268, %dma_wait3A_272] : memref<3276800x128xf32, #tpu.memory_space<hbm>> -> memref<128x128xf32, #tpu.memory_space<hbm>>
    %dma_wait3A_274 = arith.constant 0 : i32
    %dma_wait3A_275 = tpu.memref_slice %arg4[%add3A_268, %dma_wait3A_274] : memref<3276800x128xf32, #tpu.memory_space<hbm>> -> memref<128x128xf32, #tpu.memory_space<hbm>>
    %dma_wait3A_276 = arith.constant 0 : i32
    %dma_wait3A_277 = arith.constant 0 : i32
    %dma_wait3A_278 = tpu.memref_slice %arg7[%dma_wait3A_276, %dma_wait3A_277] : memref<512x128xf32, #tpu.memory_space<vmem>> -> memref<128x128xf32, #tpu.memory_space<vmem>>
    tpu.wait_dma2 semaphore(%arg12 : memref<!tpu.dma_semaphore, #tpu.memory_space<semaphore_mem>>) src(%dma_wait3A_278 : memref<128x128xf32, #tpu.memory_space<vmem>>) dst(%dma_wait3A_275 : memref<128x128xf32, #tpu.memory_space<hbm>>)
    %dma_start3A_279 = arith.constant 1 : i32
    %dma_start3A_280 = arith.constant 0 : i32
    %dma_start3A_281 = arith.constant 0 : i32
    %dma_start3A_282 = arith.constant 0 : i32
    %dma_start3A_283 = tpu.memref_slice %arg7[%dma_start3A_281, %dma_start3A_282] : memref<512x128xf32, #tpu.memory_space<vmem>> -> memref<128x128xf32, #tpu.memory_space<vmem>>
    %dma_start3A_284 = arith.constant 0 : i32
    %dma_start3A_285 = arith.constant 0 : i32
    %dma_start3A_286 = tpu.memref_slice %arg6[%dma_start3A_279, %dma_start3A_284, %dma_start3A_285] : memref<2x4x128xi32, #tpu.memory_space<vmem>> -> memref<1x4x128xi32, #tpu.memory_space<vmem>>
    %dma_start3A_287 = tpu.memref_squeeze %dma_start3A_286 : memref<1x4x128xi32, #tpu.memory_space<vmem>> -> memref<4x128xi32, #tpu.memory_space<vmem>>
    %dma_start3A_288 = arith.constant 0 : i32
    %dma_start3A_289 = tpu.memref_slice %dma_start3A_287[%dma_start3A_280, %dma_start3A_288] : memref<4x128xi32, #tpu.memory_space<vmem>> -> memref<1x128xi32, #tpu.memory_space<vmem>>
    %dma_start3A_290 = tpu.memref_squeeze %dma_start3A_289 : memref<1x128xi32, #tpu.memory_space<vmem>> -> memref<128xi32, #tpu.memory_space<vmem>>
    %dma_start3A_291 = arith.constant 0 : i32
    %dma_start3A_292 = arith.constant 0 : i32
    %dma_start3A_293 = tpu.memref_slice %arg5[%dma_start3A_291, %dma_start3A_292] : memref<20x128xf32, #tpu.memory_space<vmem_shared>> -> memref<20x128xf32, #tpu.memory_space<vmem_shared>>
    tpu.enqueue_indirect_dma source(%dma_start3A_293 : memref<20x128xf32, #tpu.memory_space<vmem_shared>>) target(%dma_start3A_283 : memref<128x128xf32, #tpu.memory_space<vmem>>) offsets(%dma_start3A_290 : memref<128xi32, #tpu.memory_space<vmem>>) semaphore(%arg8 : memref<!tpu.dma_semaphore, #tpu.memory_space<semaphore_mem>>)
    %add3A_294 = arith.constant 0 : i32
    %add3A_295 = arith.addi %mul3A_4, %add3A_294 : i32
    %add3A_296 = arith.constant 128 : i32
    %add3A_297 = arith.addi %add3A_295, %add3A_296 : i32
    %dma_wait3A_298 = arith.constant 128 : i32
    %dma_wait3A_299 = arith.constant 0 : i32
    %dma_wait3A_300 = tpu.memref_slice %arg7[%dma_wait3A_298, %dma_wait3A_299] : memref<512x128xf32, #tpu.memory_space<vmem>> -> memref<128x128xf32, #tpu.memory_space<vmem>>
    %dma_wait3A_301 = arith.constant 0 : i32
    %dma_wait3A_302 = tpu.memref_slice %arg4[%add3A_297, %dma_wait3A_301] : memref<3276800x128xf32, #tpu.memory_space<hbm>> -> memref<128x128xf32, #tpu.memory_space<hbm>>
    %dma_wait3A_303 = arith.constant 0 : i32
    %dma_wait3A_304 = tpu.memref_slice %arg4[%add3A_297, %dma_wait3A_303] : memref<3276800x128xf32, #tpu.memory_space<hbm>> -> memref<128x128xf32, #tpu.memory_space<hbm>>
    %dma_wait3A_305 = arith.constant 128 : i32
    %dma_wait3A_306 = arith.constant 0 : i32
    %dma_wait3A_307 = tpu.memref_slice %arg7[%dma_wait3A_305, %dma_wait3A_306] : memref<512x128xf32, #tpu.memory_space<vmem>> -> memref<128x128xf32, #tpu.memory_space<vmem>>
    tpu.wait_dma2 semaphore(%arg13 : memref<!tpu.dma_semaphore, #tpu.memory_space<semaphore_mem>>) src(%dma_wait3A_307 : memref<128x128xf32, #tpu.memory_space<vmem>>) dst(%dma_wait3A_304 : memref<128x128xf32, #tpu.memory_space<hbm>>)
    %dma_start3A_308 = arith.constant 1 : i32
    %dma_start3A_309 = arith.constant 1 : i32
    %dma_start3A_310 = arith.constant 128 : i32
    %dma_start3A_311 = arith.constant 0 : i32
    %dma_start3A_312 = tpu.memref_slice %arg7[%dma_start3A_310, %dma_start3A_311] : memref<512x128xf32, #tpu.memory_space<vmem>> -> memref<128x128xf32, #tpu.memory_space<vmem>>
    %dma_start3A_313 = arith.constant 0 : i32
    %dma_start3A_314 = arith.constant 0 : i32
    %dma_start3A_315 = tpu.memref_slice %arg6[%dma_start3A_308, %dma_start3A_313, %dma_start3A_314] : memref<2x4x128xi32, #tpu.memory_space<vmem>> -> memref<1x4x128xi32, #tpu.memory_space<vmem>>
    %dma_start3A_316 = tpu.memref_squeeze %dma_start3A_315 : memref<1x4x128xi32, #tpu.memory_space<vmem>> -> memref<4x128xi32, #tpu.memory_space<vmem>>
    %dma_start3A_317 = arith.constant 0 : i32
    %dma_start3A_318 = tpu.memref_slice %dma_start3A_316[%dma_start3A_309, %dma_start3A_317] : memref<4x128xi32, #tpu.memory_space<vmem>> -> memref<1x128xi32, #tpu.memory_space<vmem>>
    %dma_start3A_319 = tpu.memref_squeeze %dma_start3A_318 : memref<1x128xi32, #tpu.memory_space<vmem>> -> memref<128xi32, #tpu.memory_space<vmem>>
    %dma_start3A_320 = arith.constant 0 : i32
    %dma_start3A_321 = arith.constant 0 : i32
    %dma_start3A_322 = tpu.memref_slice %arg5[%dma_start3A_320, %dma_start3A_321] : memref<20x128xf32, #tpu.memory_space<vmem_shared>> -> memref<20x128xf32, #tpu.memory_space<vmem_shared>>
    tpu.enqueue_indirect_dma source(%dma_start3A_322 : memref<20x128xf32, #tpu.memory_space<vmem_shared>>) target(%dma_start3A_312 : memref<128x128xf32, #tpu.memory_space<vmem>>) offsets(%dma_start3A_319 : memref<128xi32, #tpu.memory_space<vmem>>) semaphore(%arg9 : memref<!tpu.dma_semaphore, #tpu.memory_space<semaphore_mem>>)
    %add3A_323 = arith.constant 0 : i32
    %add3A_324 = arith.addi %mul3A_4, %add3A_323 : i32
    %add3A_325 = arith.constant 256 : i32
    %add3A_326 = arith.addi %add3A_324, %add3A_325 : i32
    %dma_wait3A_327 = arith.constant 256 : i32
    %dma_wait3A_328 = arith.constant 0 : i32
    %dma_wait3A_329 = tpu.memref_slice %arg7[%dma_wait3A_327, %dma_wait3A_328] : memref<512x128xf32, #tpu.memory_space<vmem>> -> memref<128x128xf32, #tpu.memory_space<vmem>>
    %dma_wait3A_330 = arith.constant 0 : i32
    %dma_wait3A_331 = tpu.memref_slice %arg4[%add3A_326, %dma_wait3A_330] : memref<3276800x128xf32, #tpu.memory_space<hbm>> -> memref<128x128xf32, #tpu.memory_space<hbm>>
    %dma_wait3A_332 = arith.constant 0 : i32
    %dma_wait3A_333 = tpu.memref_slice %arg4[%add3A_326, %dma_wait3A_332] : memref<3276800x128xf32, #tpu.memory_space<hbm>> -> memref<128x128xf32, #tpu.memory_space<hbm>>
    %dma_wait3A_334 = arith.constant 256 : i32
    %dma_wait3A_335 = arith.constant 0 : i32
    %dma_wait3A_336 = tpu.memref_slice %arg7[%dma_wait3A_334, %dma_wait3A_335] : memref<512x128xf32, #tpu.memory_space<vmem>> -> memref<128x128xf32, #tpu.memory_space<vmem>>
    tpu.wait_dma2 semaphore(%arg14 : memref<!tpu.dma_semaphore, #tpu.memory_space<semaphore_mem>>) src(%dma_wait3A_336 : memref<128x128xf32, #tpu.memory_space<vmem>>) dst(%dma_wait3A_333 : memref<128x128xf32, #tpu.memory_space<hbm>>)
    %dma_start3A_337 = arith.constant 1 : i32
    %dma_start3A_338 = arith.constant 2 : i32
    %dma_start3A_339 = arith.constant 256 : i32
    %dma_start3A_340 = arith.constant 0 : i32
    %dma_start3A_341 = tpu.memref_slice %arg7[%dma_start3A_339, %dma_start3A_340] : memref<512x128xf32, #tpu.memory_space<vmem>> -> memref<128x128xf32, #tpu.memory_space<vmem>>
    %dma_start3A_342 = arith.constant 0 : i32
    %dma_start3A_343 = arith.constant 0 : i32
    %dma_start3A_344 = tpu.memref_slice %arg6[%dma_start3A_337, %dma_start3A_342, %dma_start3A_343] : memref<2x4x128xi32, #tpu.memory_space<vmem>> -> memref<1x4x128xi32, #tpu.memory_space<vmem>>
    %dma_start3A_345 = tpu.memref_squeeze %dma_start3A_344 : memref<1x4x128xi32, #tpu.memory_space<vmem>> -> memref<4x128xi32, #tpu.memory_space<vmem>>
    %dma_start3A_346 = arith.constant 0 : i32
    %dma_start3A_347 = tpu.memref_slice %dma_start3A_345[%dma_start3A_338, %dma_start3A_346] : memref<4x128xi32, #tpu.memory_space<vmem>> -> memref<1x128xi32, #tpu.memory_space<vmem>>
    %dma_start3A_348 = tpu.memref_squeeze %dma_start3A_347 : memref<1x128xi32, #tpu.memory_space<vmem>> -> memref<128xi32, #tpu.memory_space<vmem>>
    %dma_start3A_349 = arith.constant 0 : i32
    %dma_start3A_350 = arith.constant 0 : i32
    %dma_start3A_351 = tpu.memref_slice %arg5[%dma_start3A_349, %dma_start3A_350] : memref<20x128xf32, #tpu.memory_space<vmem_shared>> -> memref<20x128xf32, #tpu.memory_space<vmem_shared>>
    tpu.enqueue_indirect_dma source(%dma_start3A_351 : memref<20x128xf32, #tpu.memory_space<vmem_shared>>) target(%dma_start3A_341 : memref<128x128xf32, #tpu.memory_space<vmem>>) offsets(%dma_start3A_348 : memref<128xi32, #tpu.memory_space<vmem>>) semaphore(%arg10 : memref<!tpu.dma_semaphore, #tpu.memory_space<semaphore_mem>>)
    %add3A_352 = arith.constant 0 : i32
    %add3A_353 = arith.addi %mul3A_4, %add3A_352 : i32
    %add3A_354 = arith.constant 384 : i32
    %add3A_355 = arith.addi %add3A_353, %add3A_354 : i32
    %dma_wait3A_356 = arith.constant 384 : i32
    %dma_wait3A_357 = arith.constant 0 : i32
    %dma_wait3A_358 = tpu.memref_slice %arg7[%dma_wait3A_356, %dma_wait3A_357] : memref<512x128xf32, #tpu.memory_space<vmem>> -> memref<128x128xf32, #tpu.memory_space<vmem>>
    %dma_wait3A_359 = arith.constant 0 : i32
    %dma_wait3A_360 = tpu.memref_slice %arg4[%add3A_355, %dma_wait3A_359] : memref<3276800x128xf32, #tpu.memory_space<hbm>> -> memref<128x128xf32, #tpu.memory_space<hbm>>
    %dma_wait3A_361 = arith.constant 0 : i32
    %dma_wait3A_362 = tpu.memref_slice %arg4[%add3A_355, %dma_wait3A_361] : memref<3276800x128xf32, #tpu.memory_space<hbm>> -> memref<128x128xf32, #tpu.memory_space<hbm>>
    %dma_wait3A_363 = arith.constant 384 : i32
    %dma_wait3A_364 = arith.constant 0 : i32
    %dma_wait3A_365 = tpu.memref_slice %arg7[%dma_wait3A_363, %dma_wait3A_364] : memref<512x128xf32, #tpu.memory_space<vmem>> -> memref<128x128xf32, #tpu.memory_space<vmem>>
    tpu.wait_dma2 semaphore(%arg15 : memref<!tpu.dma_semaphore, #tpu.memory_space<semaphore_mem>>) src(%dma_wait3A_365 : memref<128x128xf32, #tpu.memory_space<vmem>>) dst(%dma_wait3A_362 : memref<128x128xf32, #tpu.memory_space<hbm>>)
    %dma_start3A_366 = arith.constant 1 : i32
    %dma_start3A_367 = arith.constant 3 : i32
    %dma_start3A_368 = arith.constant 384 : i32
    %dma_start3A_369 = arith.constant 0 : i32
    %dma_start3A_370 = tpu.memref_slice %arg7[%dma_start3A_368, %dma_start3A_369] : memref<512x128xf32, #tpu.memory_space<vmem>> -> memref<128x128xf32, #tpu.memory_space<vmem>>
    %dma_start3A_371 = arith.constant 0 : i32
    %dma_start3A_372 = arith.constant 0 : i32
    %dma_start3A_373 = tpu.memref_slice %arg6[%dma_start3A_366, %dma_start3A_371, %dma_start3A_372] : memref<2x4x128xi32, #tpu.memory_space<vmem>> -> memref<1x4x128xi32, #tpu.memory_space<vmem>>
    %dma_start3A_374 = tpu.memref_squeeze %dma_start3A_373 : memref<1x4x128xi32, #tpu.memory_space<vmem>> -> memref<4x128xi32, #tpu.memory_space<vmem>>
    %dma_start3A_375 = arith.constant 0 : i32
    %dma_start3A_376 = tpu.memref_slice %dma_start3A_374[%dma_start3A_367, %dma_start3A_375] : memref<4x128xi32, #tpu.memory_space<vmem>> -> memref<1x128xi32, #tpu.memory_space<vmem>>
    %dma_start3A_377 = tpu.memref_squeeze %dma_start3A_376 : memref<1x128xi32, #tpu.memory_space<vmem>> -> memref<128xi32, #tpu.memory_space<vmem>>
    %dma_start3A_378 = arith.constant 0 : i32
    %dma_start3A_379 = arith.constant 0 : i32
    %dma_start3A_380 = tpu.memref_slice %arg5[%dma_start3A_378, %dma_start3A_379] : memref<20x128xf32, #tpu.memory_space<vmem_shared>> -> memref<20x128xf32, #tpu.memory_space<vmem_shared>>
    tpu.enqueue_indirect_dma source(%dma_start3A_380 : memref<20x128xf32, #tpu.memory_space<vmem_shared>>) target(%dma_start3A_370 : memref<128x128xf32, #tpu.memory_space<vmem>>) offsets(%dma_start3A_377 : memref<128xi32, #tpu.memory_space<vmem>>) semaphore(%arg11 : memref<!tpu.dma_semaphore, #tpu.memory_space<semaphore_mem>>)
    %dma_wait3A_381 = arith.constant 1 : i32
    %dma_wait3A_382 = arith.constant 0 : i32
    %dma_wait3A_383 = arith.constant 0 : i32
    %dma_wait3A_384 = arith.constant 0 : i32
    %dma_wait3A_385 = tpu.memref_slice %arg7[%dma_wait3A_383, %dma_wait3A_384] : memref<512x128xf32, #tpu.memory_space<vmem>> -> memref<128x128xf32, #tpu.memory_space<vmem>>
    %dma_wait3A_386 = arith.constant 0 : i32
    %dma_wait3A_387 = arith.constant 0 : i32
    %dma_wait3A_388 = tpu.memref_slice %arg6[%dma_wait3A_381, %dma_wait3A_386, %dma_wait3A_387] : memref<2x4x128xi32, #tpu.memory_space<vmem>> -> memref<1x4x128xi32, #tpu.memory_space<vmem>>
    %dma_wait3A_389 = tpu.memref_squeeze %dma_wait3A_388 : memref<1x4x128xi32, #tpu.memory_space<vmem>> -> memref<4x128xi32, #tpu.memory_space<vmem>>
    %dma_wait3A_390 = arith.constant 0 : i32
    %dma_wait3A_391 = tpu.memref_slice %dma_wait3A_389[%dma_wait3A_382, %dma_wait3A_390] : memref<4x128xi32, #tpu.memory_space<vmem>> -> memref<1x128xi32, #tpu.memory_space<vmem>>
    %dma_wait3A_392 = tpu.memref_squeeze %dma_wait3A_391 : memref<1x128xi32, #tpu.memory_space<vmem>> -> memref<128xi32, #tpu.memory_space<vmem>>
    %dma_wait3A_393 = arith.constant 0 : i32
    %dma_wait3A_394 = arith.constant 0 : i32
    %dma_wait3A_395 = tpu.memref_slice %arg5[%dma_wait3A_393, %dma_wait3A_394] : memref<20x128xf32, #tpu.memory_space<vmem_shared>> -> memref<20x128xf32, #tpu.memory_space<vmem_shared>>
    tpu.wait_indirect_dma semaphore(%arg8 : memref<!tpu.dma_semaphore, #tpu.memory_space<semaphore_mem>>) src(%dma_wait3A_395 : memref<20x128xf32, #tpu.memory_space<vmem_shared>>) dst(%dma_wait3A_385 : memref<128x128xf32, #tpu.memory_space<vmem>>)
    %add3A_396 = arith.constant 512 : i32
    %add3A_397 = arith.addi %mul3A_4, %add3A_396 : i32
    %add3A_398 = arith.constant 0 : i32
    %add3A_399 = arith.addi %add3A_397, %add3A_398 : i32
    %dma_start3A_400 = arith.constant 0 : i32
    %dma_start3A_401 = arith.constant 0 : i32
    %dma_start3A_402 = tpu.memref_slice %arg7[%dma_start3A_400, %dma_start3A_401] : memref<512x128xf32, #tpu.memory_space<vmem>> -> memref<128x128xf32, #tpu.memory_space<vmem>>
    %dma_start3A_403 = arith.constant 0 : i32
    %dma_start3A_404 = tpu.memref_slice %arg4[%add3A_399, %dma_start3A_403] : memref<3276800x128xf32, #tpu.memory_space<hbm>> -> memref<128x128xf32, #tpu.memory_space<hbm>>
    %dma_start3A_405 = arith.constant 0 : i32
    %dma_start3A_406 = tpu.memref_slice %arg4[%add3A_399, %dma_start3A_405] : memref<3276800x128xf32, #tpu.memory_space<hbm>> -> memref<128x128xf32, #tpu.memory_space<hbm>>
    %dma_start3A_407 = arith.constant 0 : i32
    %dma_start3A_408 = arith.constant 0 : i32
    %dma_start3A_409 = tpu.memref_slice %arg7[%dma_start3A_407, %dma_start3A_408] : memref<512x128xf32, #tpu.memory_space<vmem>> -> memref<128x128xf32, #tpu.memory_space<vmem>>
    tpu.enqueue_dma source(%dma_start3A_409 : memref<128x128xf32, #tpu.memory_space<vmem>>) target(%dma_start3A_406 : memref<128x128xf32, #tpu.memory_space<hbm>>) target_semaphore(%arg12 : memref<!tpu.dma_semaphore, #tpu.memory_space<semaphore_mem>>)
    %dma_wait3A_410 = arith.constant 1 : i32
    %dma_wait3A_411 = arith.constant 1 : i32
    %dma_wait3A_412 = arith.constant 128 : i32
    %dma_wait3A_413 = arith.constant 0 : i32
    %dma_wait3A_414 = tpu.memref_slice %arg7[%dma_wait3A_412, %dma_wait3A_413] : memref<512x128xf32, #tpu.memory_space<vmem>> -> memref<128x128xf32, #tpu.memory_space<vmem>>
    %dma_wait3A_415 = arith.constant 0 : i32
    %dma_wait3A_416 = arith.constant 0 : i32
    %dma_wait3A_417 = tpu.memref_slice %arg6[%dma_wait3A_410, %dma_wait3A_415, %dma_wait3A_416] : memref<2x4x128xi32, #tpu.memory_space<vmem>> -> memref<1x4x128xi32, #tpu.memory_space<vmem>>
    %dma_wait3A_418 = tpu.memref_squeeze %dma_wait3A_417 : memref<1x4x128xi32, #tpu.memory_space<vmem>> -> memref<4x128xi32, #tpu.memory_space<vmem>>
    %dma_wait3A_419 = arith.constant 0 : i32
    %dma_wait3A_420 = tpu.memref_slice %dma_wait3A_418[%dma_wait3A_411, %dma_wait3A_419] : memref<4x128xi32, #tpu.memory_space<vmem>> -> memref<1x128xi32, #tpu.memory_space<vmem>>
    %dma_wait3A_421 = tpu.memref_squeeze %dma_wait3A_420 : memref<1x128xi32, #tpu.memory_space<vmem>> -> memref<128xi32, #tpu.memory_space<vmem>>
    %dma_wait3A_422 = arith.constant 0 : i32
    %dma_wait3A_423 = arith.constant 0 : i32
    %dma_wait3A_424 = tpu.memref_slice %arg5[%dma_wait3A_422, %dma_wait3A_423] : memref<20x128xf32, #tpu.memory_space<vmem_shared>> -> memref<20x128xf32, #tpu.memory_space<vmem_shared>>
    tpu.wait_indirect_dma semaphore(%arg9 : memref<!tpu.dma_semaphore, #tpu.memory_space<semaphore_mem>>) src(%dma_wait3A_424 : memref<20x128xf32, #tpu.memory_space<vmem_shared>>) dst(%dma_wait3A_414 : memref<128x128xf32, #tpu.memory_space<vmem>>)
    %add3A_425 = arith.constant 512 : i32
    %add3A_426 = arith.addi %mul3A_4, %add3A_425 : i32
    %add3A_427 = arith.constant 128 : i32
    %add3A_428 = arith.addi %add3A_426, %add3A_427 : i32
    %dma_start3A_429 = arith.constant 128 : i32
    %dma_start3A_430 = arith.constant 0 : i32
    %dma_start3A_431 = tpu.memref_slice %arg7[%dma_start3A_429, %dma_start3A_430] : memref<512x128xf32, #tpu.memory_space<vmem>> -> memref<128x128xf32, #tpu.memory_space<vmem>>
    %dma_start3A_432 = arith.constant 0 : i32
    %dma_start3A_433 = tpu.memref_slice %arg4[%add3A_428, %dma_start3A_432] : memref<3276800x128xf32, #tpu.memory_space<hbm>> -> memref<128x128xf32, #tpu.memory_space<hbm>>
    %dma_start3A_434 = arith.constant 0 : i32
    %dma_start3A_435 = tpu.memref_slice %arg4[%add3A_428, %dma_start3A_434] : memref<3276800x128xf32, #tpu.memory_space<hbm>> -> memref<128x128xf32, #tpu.memory_space<hbm>>
    %dma_start3A_436 = arith.constant 128 : i32
    %dma_start3A_437 = arith.constant 0 : i32
    %dma_start3A_438 = tpu.memref_slice %arg7[%dma_start3A_436, %dma_start3A_437] : memref<512x128xf32, #tpu.memory_space<vmem>> -> memref<128x128xf32, #tpu.memory_space<vmem>>
    tpu.enqueue_dma source(%dma_start3A_438 : memref<128x128xf32, #tpu.memory_space<vmem>>) target(%dma_start3A_435 : memref<128x128xf32, #tpu.memory_space<hbm>>) target_semaphore(%arg13 : memref<!tpu.dma_semaphore, #tpu.memory_space<semaphore_mem>>)
    %dma_wait3A_439 = arith.constant 1 : i32
    %dma_wait3A_440 = arith.constant 2 : i32
    %dma_wait3A_441 = arith.constant 256 : i32
    %dma_wait3A_442 = arith.constant 0 : i32
    %dma_wait3A_443 = tpu.memref_slice %arg7[%dma_wait3A_441, %dma_wait3A_442] : memref<512x128xf32, #tpu.memory_space<vmem>> -> memref<128x128xf32, #tpu.memory_space<vmem>>
    %dma_wait3A_444 = arith.constant 0 : i32
    %dma_wait3A_445 = arith.constant 0 : i32
    %dma_wait3A_446 = tpu.memref_slice %arg6[%dma_wait3A_439, %dma_wait3A_444, %dma_wait3A_445] : memref<2x4x128xi32, #tpu.memory_space<vmem>> -> memref<1x4x128xi32, #tpu.memory_space<vmem>>
    %dma_wait3A_447 = tpu.memref_squeeze %dma_wait3A_446 : memref<1x4x128xi32, #tpu.memory_space<vmem>> -> memref<4x128xi32, #tpu.memory_space<vmem>>
    %dma_wait3A_448 = arith.constant 0 : i32
    %dma_wait3A_449 = tpu.memref_slice %dma_wait3A_447[%dma_wait3A_440, %dma_wait3A_448] : memref<4x128xi32, #tpu.memory_space<vmem>> -> memref<1x128xi32, #tpu.memory_space<vmem>>
    %dma_wait3A_450 = tpu.memref_squeeze %dma_wait3A_449 : memref<1x128xi32, #tpu.memory_space<vmem>> -> memref<128xi32, #tpu.memory_space<vmem>>
    %dma_wait3A_451 = arith.constant 0 : i32
    %dma_wait3A_452 = arith.constant 0 : i32
    %dma_wait3A_453 = tpu.memref_slice %arg5[%dma_wait3A_451, %dma_wait3A_452] : memref<20x128xf32, #tpu.memory_space<vmem_shared>> -> memref<20x128xf32, #tpu.memory_space<vmem_shared>>
    tpu.wait_indirect_dma semaphore(%arg10 : memref<!tpu.dma_semaphore, #tpu.memory_space<semaphore_mem>>) src(%dma_wait3A_453 : memref<20x128xf32, #tpu.memory_space<vmem_shared>>) dst(%dma_wait3A_443 : memref<128x128xf32, #tpu.memory_space<vmem>>)
    %add3A_454 = arith.constant 512 : i32
    %add3A_455 = arith.addi %mul3A_4, %add3A_454 : i32
    %add3A_456 = arith.constant 256 : i32
    %add3A_457 = arith.addi %add3A_455, %add3A_456 : i32
    %dma_start3A_458 = arith.constant 256 : i32
    %dma_start3A_459 = arith.constant 0 : i32
    %dma_start3A_460 = tpu.memref_slice %arg7[%dma_start3A_458, %dma_start3A_459] : memref<512x128xf32, #tpu.memory_space<vmem>> -> memref<128x128xf32, #tpu.memory_space<vmem>>
    %dma_start3A_461 = arith.constant 0 : i32
    %dma_start3A_462 = tpu.memref_slice %arg4[%add3A_457, %dma_start3A_461] : memref<3276800x128xf32, #tpu.memory_space<hbm>> -> memref<128x128xf32, #tpu.memory_space<hbm>>
    %dma_start3A_463 = arith.constant 0 : i32
    %dma_start3A_464 = tpu.memref_slice %arg4[%add3A_457, %dma_start3A_463] : memref<3276800x128xf32, #tpu.memory_space<hbm>> -> memref<128x128xf32, #tpu.memory_space<hbm>>
    %dma_start3A_465 = arith.constant 256 : i32
    %dma_start3A_466 = arith.constant 0 : i32
    %dma_start3A_467 = tpu.memref_slice %arg7[%dma_start3A_465, %dma_start3A_466] : memref<512x128xf32, #tpu.memory_space<vmem>> -> memref<128x128xf32, #tpu.memory_space<vmem>>
    tpu.enqueue_dma source(%dma_start3A_467 : memref<128x128xf32, #tpu.memory_space<vmem>>) target(%dma_start3A_464 : memref<128x128xf32, #tpu.memory_space<hbm>>) target_semaphore(%arg14 : memref<!tpu.dma_semaphore, #tpu.memory_space<semaphore_mem>>)
    %dma_wait3A_468 = arith.constant 1 : i32
    %dma_wait3A_469 = arith.constant 3 : i32
    %dma_wait3A_470 = arith.constant 384 : i32
    %dma_wait3A_471 = arith.constant 0 : i32
    %dma_wait3A_472 = tpu.memref_slice %arg7[%dma_wait3A_470, %dma_wait3A_471] : memref<512x128xf32, #tpu.memory_space<vmem>> -> memref<128x128xf32, #tpu.memory_space<vmem>>
    %dma_wait3A_473 = arith.constant 0 : i32
    %dma_wait3A_474 = arith.constant 0 : i32
    %dma_wait3A_475 = tpu.memref_slice %arg6[%dma_wait3A_468, %dma_wait3A_473, %dma_wait3A_474] : memref<2x4x128xi32, #tpu.memory_space<vmem>> -> memref<1x4x128xi32, #tpu.memory_space<vmem>>
    %dma_wait3A_476 = tpu.memref_squeeze %dma_wait3A_475 : memref<1x4x128xi32, #tpu.memory_space<vmem>> -> memref<4x128xi32, #tpu.memory_space<vmem>>
    %dma_wait3A_477 = arith.constant 0 : i32
    %dma_wait3A_478 = tpu.memref_slice %dma_wait3A_476[%dma_wait3A_469, %dma_wait3A_477] : memref<4x128xi32, #tpu.memory_space<vmem>> -> memref<1x128xi32, #tpu.memory_space<vmem>>
    %dma_wait3A_479 = tpu.memref_squeeze %dma_wait3A_478 : memref<1x128xi32, #tpu.memory_space<vmem>> -> memref<128xi32, #tpu.memory_space<vmem>>
    %dma_wait3A_480 = arith.constant 0 : i32
    %dma_wait3A_481 = arith.constant 0 : i32
    %dma_wait3A_482 = tpu.memref_slice %arg5[%dma_wait3A_480, %dma_wait3A_481] : memref<20x128xf32, #tpu.memory_space<vmem_shared>> -> memref<20x128xf32, #tpu.memory_space<vmem_shared>>
    tpu.wait_indirect_dma semaphore(%arg11 : memref<!tpu.dma_semaphore, #tpu.memory_space<semaphore_mem>>) src(%dma_wait3A_482 : memref<20x128xf32, #tpu.memory_space<vmem_shared>>) dst(%dma_wait3A_472 : memref<128x128xf32, #tpu.memory_space<vmem>>)
    %add3A_483 = arith.constant 512 : i32
    %add3A_484 = arith.addi %mul3A_4, %add3A_483 : i32
    %add3A_485 = arith.constant 384 : i32
    %add3A_486 = arith.addi %add3A_484, %add3A_485 : i32
    %dma_start3A_487 = arith.constant 384 : i32
    %dma_start3A_488 = arith.constant 0 : i32
    %dma_start3A_489 = tpu.memref_slice %arg7[%dma_start3A_487, %dma_start3A_488] : memref<512x128xf32, #tpu.memory_space<vmem>> -> memref<128x128xf32, #tpu.memory_space<vmem>>
    %dma_start3A_490 = arith.constant 0 : i32
    %dma_start3A_491 = tpu.memref_slice %arg4[%add3A_486, %dma_start3A_490] : memref<3276800x128xf32, #tpu.memory_space<hbm>> -> memref<128x128xf32, #tpu.memory_space<hbm>>
    %dma_start3A_492 = arith.constant 0 : i32
    %dma_start3A_493 = tpu.memref_slice %arg4[%add3A_486, %dma_start3A_492] : memref<3276800x128xf32, #tpu.memory_space<hbm>> -> memref<128x128xf32, #tpu.memory_space<hbm>>
    %dma_start3A_494 = arith.constant 384 : i32
    %dma_start3A_495 = arith.constant 0 : i32
    %dma_start3A_496 = tpu.memref_slice %arg7[%dma_start3A_494, %dma_start3A_495] : memref<512x128xf32, #tpu.memory_space<vmem>> -> memref<128x128xf32, #tpu.memory_space<vmem>>
    tpu.enqueue_dma source(%dma_start3A_496 : memref<128x128xf32, #tpu.memory_space<vmem>>) target(%dma_start3A_493 : memref<128x128xf32, #tpu.memory_space<hbm>>) target_semaphore(%arg15 : memref<!tpu.dma_semaphore, #tpu.memory_space<semaphore_mem>>)
    %min3A_497 = arith.constant 12 : i32
    %min3A_498 = arith.constant 796 : i32
    %min3A_499 = arith.minsi %min3A_497, %min3A_498 : i32
    %add3A_500 = arith.addi %mul3A_2, %min3A_499 : i32
    %dma_start3A_501 = arith.constant 1 : i32
    %dma_start3A_502 = arith.constant 0 : i32
    %dma_start3A_503 = arith.constant 0 : i32
    %dma_start3A_504 = tpu.memref_slice %arg6[%dma_start3A_501, %dma_start3A_502, %dma_start3A_503] : memref<2x4x128xi32, #tpu.memory_space<vmem>> -> memref<1x4x128xi32, #tpu.memory_space<vmem>>
    %dma_start3A_505 = tpu.memref_squeeze %dma_start3A_504 : memref<1x4x128xi32, #tpu.memory_space<vmem>> -> memref<4x128xi32, #tpu.memory_space<vmem>>
    %dma_start3A_506 = arith.constant 0 : i32
    %dma_start3A_507 = tpu.memref_slice %arg2[%add3A_500, %dma_start3A_506] : memref<25600x128xi32, #tpu.memory_space<hbm>> -> memref<4x128xi32, #tpu.memory_space<hbm>>
    %dma_start3A_508 = arith.constant 0 : i32
    %dma_start3A_509 = arith.constant 0 : i32
    %dma_start3A_510 = tpu.memref_slice %arg6[%dma_start3A_501, %dma_start3A_508, %dma_start3A_509] : memref<2x4x128xi32, #tpu.memory_space<vmem>> -> memref<1x4x128xi32, #tpu.memory_space<vmem>>
    %dma_start3A_511 = tpu.memref_squeeze %dma_start3A_510 : memref<1x4x128xi32, #tpu.memory_space<vmem>> -> memref<4x128xi32, #tpu.memory_space<vmem>>
    %dma_start3A_512 = arith.constant 0 : i32
    %dma_start3A_513 = tpu.memref_slice %arg2[%add3A_500, %dma_start3A_512] : memref<25600x128xi32, #tpu.memory_space<hbm>> -> memref<4x128xi32, #tpu.memory_space<hbm>>
    tpu.enqueue_dma source(%dma_start3A_513 : memref<4x128xi32, #tpu.memory_space<hbm>>) target(%dma_start3A_511 : memref<4x128xi32, #tpu.memory_space<vmem>>) target_semaphore(%arg17 : memref<!tpu.dma_semaphore, #tpu.memory_space<semaphore_mem>>)
    %scan3A = arith.constant 0 : i32
    %scan3A_514 = arith.constant 1 : i32
    %scan3A_515 = arith.constant 99 : i32
    %scan3A_516 = arith.addi %scan3A_514, %scan3A_515 : i32
    %scan3A_517 = arith.constant 1 : i32
    scf.for %scan3A_575 = %scan3A_514 to %scan3A_516 step %scan3A_517  : i32 {
      %mul3A_576 = arith.constant 2 : i32
      %mul3A_577 = arith.muli %mul3A_576, %scan3A_575 : i32
      %mul3A_578 = arith.constant 4 : i32
      %mul3A_579 = arith.muli %mul3A_577, %mul3A_578 : i32
      %min3A_580 = arith.constant 796 : i32
      %min3A_581 = arith.minsi %mul3A_579, %min3A_580 : i32
      %add3A_582 = arith.addi %mul3A_2, %min3A_581 : i32
      %dma_wait3A_583 = arith.constant 0 : i32
      %dma_wait3A_584 = arith.constant 0 : i32
      %dma_wait3A_585 = arith.constant 0 : i32
      %dma_wait3A_586 = tpu.memref_slice %arg6[%dma_wait3A_583, %dma_wait3A_584, %dma_wait3A_585] : memref<2x4x128xi32, #tpu.memory_space<vmem>> -> memref<1x4x128xi32, #tpu.memory_space<vmem>>
      %dma_wait3A_587 = tpu.memref_squeeze %dma_wait3A_586 : memref<1x4x128xi32, #tpu.memory_space<vmem>> -> memref<4x128xi32, #tpu.memory_space<vmem>>
      %dma_wait3A_588 = arith.constant 0 : i32
      %dma_wait3A_589 = tpu.memref_slice %arg2[%add3A_582, %dma_wait3A_588] : memref<25600x128xi32, #tpu.memory_space<hbm>> -> memref<4x128xi32, #tpu.memory_space<hbm>>
      %dma_wait3A_590 = arith.constant 0 : i32
      %dma_wait3A_591 = arith.constant 0 : i32
      %dma_wait3A_592 = tpu.memref_slice %arg6[%dma_wait3A_583, %dma_wait3A_590, %dma_wait3A_591] : memref<2x4x128xi32, #tpu.memory_space<vmem>> -> memref<1x4x128xi32, #tpu.memory_space<vmem>>
      %dma_wait3A_593 = tpu.memref_squeeze %dma_wait3A_592 : memref<1x4x128xi32, #tpu.memory_space<vmem>> -> memref<4x128xi32, #tpu.memory_space<vmem>>
      %dma_wait3A_594 = arith.constant 0 : i32
      %dma_wait3A_595 = tpu.memref_slice %arg2[%add3A_582, %dma_wait3A_594] : memref<25600x128xi32, #tpu.memory_space<hbm>> -> memref<4x128xi32, #tpu.memory_space<hbm>>
      tpu.wait_dma2 semaphore(%arg16 : memref<!tpu.dma_semaphore, #tpu.memory_space<semaphore_mem>>) src(%dma_wait3A_595 : memref<4x128xi32, #tpu.memory_space<hbm>>) dst(%dma_wait3A_593 : memref<4x128xi32, #tpu.memory_space<vmem>>)
      %sub3A = arith.constant 1 : i32
      %sub3A_596 = arith.subi %mul3A_577, %sub3A : i32
      %mul3A_597 = arith.constant 512 : i32
      %mul3A_598 = arith.muli %sub3A_596, %mul3A_597 : i32
      %add3A_599 = arith.addi %mul3A_4, %mul3A_598 : i32
      %add3A_600 = arith.constant 0 : i32
      %add3A_601 = arith.addi %add3A_599, %add3A_600 : i32
      %dma_wait3A_602 = arith.constant 0 : i32
      %dma_wait3A_603 = arith.constant 0 : i32
      %dma_wait3A_604 = tpu.memref_slice %arg7[%dma_wait3A_602, %dma_wait3A_603] : memref<512x128xf32, #tpu.memory_space<vmem>> -> memref<128x128xf32, #tpu.memory_space<vmem>>
      %dma_wait3A_605 = arith.constant 0 : i32
      %dma_wait3A_606 = tpu.memref_slice %arg4[%add3A_601, %dma_wait3A_605] : memref<3276800x128xf32, #tpu.memory_space<hbm>> -> memref<128x128xf32, #tpu.memory_space<hbm>>
      %dma_wait3A_607 = arith.constant 0 : i32
      %dma_wait3A_608 = tpu.memref_slice %arg4[%add3A_601, %dma_wait3A_607] : memref<3276800x128xf32, #tpu.memory_space<hbm>> -> memref<128x128xf32, #tpu.memory_space<hbm>>
      %dma_wait3A_609 = arith.constant 0 : i32
      %dma_wait3A_610 = arith.constant 0 : i32
      %dma_wait3A_611 = tpu.memref_slice %arg7[%dma_wait3A_609, %dma_wait3A_610] : memref<512x128xf32, #tpu.memory_space<vmem>> -> memref<128x128xf32, #tpu.memory_space<vmem>>
      tpu.wait_dma2 semaphore(%arg12 : memref<!tpu.dma_semaphore, #tpu.memory_space<semaphore_mem>>) src(%dma_wait3A_611 : memref<128x128xf32, #tpu.memory_space<vmem>>) dst(%dma_wait3A_608 : memref<128x128xf32, #tpu.memory_space<hbm>>)
      %dma_start3A_612 = arith.constant 0 : i32
      %dma_start3A_613 = arith.constant 0 : i32
      %dma_start3A_614 = arith.constant 0 : i32
      %dma_start3A_615 = arith.constant 0 : i32
      %dma_start3A_616 = tpu.memref_slice %arg7[%dma_start3A_614, %dma_start3A_615] : memref<512x128xf32, #tpu.memory_space<vmem>> -> memref<128x128xf32, #tpu.memory_space<vmem>>
      %dma_start3A_617 = arith.constant 0 : i32
      %dma_start3A_618 = arith.constant 0 : i32
      %dma_start3A_619 = tpu.memref_slice %arg6[%dma_start3A_612, %dma_start3A_617, %dma_start3A_618] : memref<2x4x128xi32, #tpu.memory_space<vmem>> -> memref<1x4x128xi32, #tpu.memory_space<vmem>>
      %dma_start3A_620 = tpu.memref_squeeze %dma_start3A_619 : memref<1x4x128xi32, #tpu.memory_space<vmem>> -> memref<4x128xi32, #tpu.memory_space<vmem>>
      %dma_start3A_621 = arith.constant 0 : i32
      %dma_start3A_622 = tpu.memref_slice %dma_start3A_620[%dma_start3A_613, %dma_start3A_621] : memref<4x128xi32, #tpu.memory_space<vmem>> -> memref<1x128xi32, #tpu.memory_space<vmem>>
      %dma_start3A_623 = tpu.memref_squeeze %dma_start3A_622 : memref<1x128xi32, #tpu.memory_space<vmem>> -> memref<128xi32, #tpu.memory_space<vmem>>
      %dma_start3A_624 = arith.constant 0 : i32
      %dma_start3A_625 = arith.constant 0 : i32
      %dma_start3A_626 = tpu.memref_slice %arg5[%dma_start3A_624, %dma_start3A_625] : memref<20x128xf32, #tpu.memory_space<vmem_shared>> -> memref<20x128xf32, #tpu.memory_space<vmem_shared>>
      tpu.enqueue_indirect_dma source(%dma_start3A_626 : memref<20x128xf32, #tpu.memory_space<vmem_shared>>) target(%dma_start3A_616 : memref<128x128xf32, #tpu.memory_space<vmem>>) offsets(%dma_start3A_623 : memref<128xi32, #tpu.memory_space<vmem>>) semaphore(%arg8 : memref<!tpu.dma_semaphore, #tpu.memory_space<semaphore_mem>>)
      %sub3A_627 = arith.constant 1 : i32
      %sub3A_628 = arith.subi %mul3A_577, %sub3A_627 : i32
      %mul3A_629 = arith.constant 512 : i32
      %mul3A_630 = arith.muli %sub3A_628, %mul3A_629 : i32
      %add3A_631 = arith.addi %mul3A_4, %mul3A_630 : i32
      %add3A_632 = arith.constant 128 : i32
      %add3A_633 = arith.addi %add3A_631, %add3A_632 : i32
      %dma_wait3A_634 = arith.constant 128 : i32
      %dma_wait3A_635 = arith.constant 0 : i32
      %dma_wait3A_636 = tpu.memref_slice %arg7[%dma_wait3A_634, %dma_wait3A_635] : memref<512x128xf32, #tpu.memory_space<vmem>> -> memref<128x128xf32, #tpu.memory_space<vmem>>
      %dma_wait3A_637 = arith.constant 0 : i32
      %dma_wait3A_638 = tpu.memref_slice %arg4[%add3A_633, %dma_wait3A_637] : memref<3276800x128xf32, #tpu.memory_space<hbm>> -> memref<128x128xf32, #tpu.memory_space<hbm>>
      %dma_wait3A_639 = arith.constant 0 : i32
      %dma_wait3A_640 = tpu.memref_slice %arg4[%add3A_633, %dma_wait3A_639] : memref<3276800x128xf32, #tpu.memory_space<hbm>> -> memref<128x128xf32, #tpu.memory_space<hbm>>
      %dma_wait3A_641 = arith.constant 128 : i32
      %dma_wait3A_642 = arith.constant 0 : i32
      %dma_wait3A_643 = tpu.memref_slice %arg7[%dma_wait3A_641, %dma_wait3A_642] : memref<512x128xf32, #tpu.memory_space<vmem>> -> memref<128x128xf32, #tpu.memory_space<vmem>>
      tpu.wait_dma2 semaphore(%arg13 : memref<!tpu.dma_semaphore, #tpu.memory_space<semaphore_mem>>) src(%dma_wait3A_643 : memref<128x128xf32, #tpu.memory_space<vmem>>) dst(%dma_wait3A_640 : memref<128x128xf32, #tpu.memory_space<hbm>>)
      %dma_start3A_644 = arith.constant 0 : i32
      %dma_start3A_645 = arith.constant 1 : i32
      %dma_start3A_646 = arith.constant 128 : i32
      %dma_start3A_647 = arith.constant 0 : i32
      %dma_start3A_648 = tpu.memref_slice %arg7[%dma_start3A_646, %dma_start3A_647] : memref<512x128xf32, #tpu.memory_space<vmem>> -> memref<128x128xf32, #tpu.memory_space<vmem>>
      %dma_start3A_649 = arith.constant 0 : i32
      %dma_start3A_650 = arith.constant 0 : i32
      %dma_start3A_651 = tpu.memref_slice %arg6[%dma_start3A_644, %dma_start3A_649, %dma_start3A_650] : memref<2x4x128xi32, #tpu.memory_space<vmem>> -> memref<1x4x128xi32, #tpu.memory_space<vmem>>
      %dma_start3A_652 = tpu.memref_squeeze %dma_start3A_651 : memref<1x4x128xi32, #tpu.memory_space<vmem>> -> memref<4x128xi32, #tpu.memory_space<vmem>>
      %dma_start3A_653 = arith.constant 0 : i32
      %dma_start3A_654 = tpu.memref_slice %dma_start3A_652[%dma_start3A_645, %dma_start3A_653] : memref<4x128xi32, #tpu.memory_space<vmem>> -> memref<1x128xi32, #tpu.memory_space<vmem>>
      %dma_start3A_655 = tpu.memref_squeeze %dma_start3A_654 : memref<1x128xi32, #tpu.memory_space<vmem>> -> memref<128xi32, #tpu.memory_space<vmem>>
      %dma_start3A_656 = arith.constant 0 : i32
      %dma_start3A_657 = arith.constant 0 : i32
      %dma_start3A_658 = tpu.memref_slice %arg5[%dma_start3A_656, %dma_start3A_657] : memref<20x128xf32, #tpu.memory_space<vmem_shared>> -> memref<20x128xf32, #tpu.memory_space<vmem_shared>>
      tpu.enqueue_indirect_dma source(%dma_start3A_658 : memref<20x128xf32, #tpu.memory_space<vmem_shared>>) target(%dma_start3A_648 : memref<128x128xf32, #tpu.memory_space<vmem>>) offsets(%dma_start3A_655 : memref<128xi32, #tpu.memory_space<vmem>>) semaphore(%arg9 : memref<!tpu.dma_semaphore, #tpu.memory_space<semaphore_mem>>)
      %sub3A_659 = arith.constant 1 : i32
      %sub3A_660 = arith.subi %mul3A_577, %sub3A_659 : i32
      %mul3A_661 = arith.constant 512 : i32
      %mul3A_662 = arith.muli %sub3A_660, %mul3A_661 : i32
      %add3A_663 = arith.addi %mul3A_4, %mul3A_662 : i32
      %add3A_664 = arith.constant 256 : i32
      %add3A_665 = arith.addi %add3A_663, %add3A_664 : i32
      %dma_wait3A_666 = arith.constant 256 : i32
      %dma_wait3A_667 = arith.constant 0 : i32
      %dma_wait3A_668 = tpu.memref_slice %arg7[%dma_wait3A_666, %dma_wait3A_667] : memref<512x128xf32, #tpu.memory_space<vmem>> -> memref<128x128xf32, #tpu.memory_space<vmem>>
      %dma_wait3A_669 = arith.constant 0 : i32
      %dma_wait3A_670 = tpu.memref_slice %arg4[%add3A_665, %dma_wait3A_669] : memref<3276800x128xf32, #tpu.memory_space<hbm>> -> memref<128x128xf32, #tpu.memory_space<hbm>>
      %dma_wait3A_671 = arith.constant 0 : i32
      %dma_wait3A_672 = tpu.memref_slice %arg4[%add3A_665, %dma_wait3A_671] : memref<3276800x128xf32, #tpu.memory_space<hbm>> -> memref<128x128xf32, #tpu.memory_space<hbm>>
      %dma_wait3A_673 = arith.constant 256 : i32
      %dma_wait3A_674 = arith.constant 0 : i32
      %dma_wait3A_675 = tpu.memref_slice %arg7[%dma_wait3A_673, %dma_wait3A_674] : memref<512x128xf32, #tpu.memory_space<vmem>> -> memref<128x128xf32, #tpu.memory_space<vmem>>
      tpu.wait_dma2 semaphore(%arg14 : memref<!tpu.dma_semaphore, #tpu.memory_space<semaphore_mem>>) src(%dma_wait3A_675 : memref<128x128xf32, #tpu.memory_space<vmem>>) dst(%dma_wait3A_672 : memref<128x128xf32, #tpu.memory_space<hbm>>)
      %dma_start3A_676 = arith.constant 0 : i32
      %dma_start3A_677 = arith.constant 2 : i32
      %dma_start3A_678 = arith.constant 256 : i32
      %dma_start3A_679 = arith.constant 0 : i32
      %dma_start3A_680 = tpu.memref_slice %arg7[%dma_start3A_678, %dma_start3A_679] : memref<512x128xf32, #tpu.memory_space<vmem>> -> memref<128x128xf32, #tpu.memory_space<vmem>>
      %dma_start3A_681 = arith.constant 0 : i32
      %dma_start3A_682 = arith.constant 0 : i32
      %dma_start3A_683 = tpu.memref_slice %arg6[%dma_start3A_676, %dma_start3A_681, %dma_start3A_682] : memref<2x4x128xi32, #tpu.memory_space<vmem>> -> memref<1x4x128xi32, #tpu.memory_space<vmem>>
      %dma_start3A_684 = tpu.memref_squeeze %dma_start3A_683 : memref<1x4x128xi32, #tpu.memory_space<vmem>> -> memref<4x128xi32, #tpu.memory_space<vmem>>
      %dma_start3A_685 = arith.constant 0 : i32
      %dma_start3A_686 = tpu.memref_slice %dma_start3A_684[%dma_start3A_677, %dma_start3A_685] : memref<4x128xi32, #tpu.memory_space<vmem>> -> memref<1x128xi32, #tpu.memory_space<vmem>>
      %dma_start3A_687 = tpu.memref_squeeze %dma_start3A_686 : memref<1x128xi32, #tpu.memory_space<vmem>> -> memref<128xi32, #tpu.memory_space<vmem>>
      %dma_start3A_688 = arith.constant 0 : i32
      %dma_start3A_689 = arith.constant 0 : i32
      %dma_start3A_690 = tpu.memref_slice %arg5[%dma_start3A_688, %dma_start3A_689] : memref<20x128xf32, #tpu.memory_space<vmem_shared>> -> memref<20x128xf32, #tpu.memory_space<vmem_shared>>
      tpu.enqueue_indirect_dma source(%dma_start3A_690 : memref<20x128xf32, #tpu.memory_space<vmem_shared>>) target(%dma_start3A_680 : memref<128x128xf32, #tpu.memory_space<vmem>>) offsets(%dma_start3A_687 : memref<128xi32, #tpu.memory_space<vmem>>) semaphore(%arg10 : memref<!tpu.dma_semaphore, #tpu.memory_space<semaphore_mem>>)
      %sub3A_691 = arith.constant 1 : i32
      %sub3A_692 = arith.subi %mul3A_577, %sub3A_691 : i32
      %mul3A_693 = arith.constant 512 : i32
      %mul3A_694 = arith.muli %sub3A_692, %mul3A_693 : i32
      %add3A_695 = arith.addi %mul3A_4, %mul3A_694 : i32
      %add3A_696 = arith.constant 384 : i32
      %add3A_697 = arith.addi %add3A_695, %add3A_696 : i32
      %dma_wait3A_698 = arith.constant 384 : i32
      %dma_wait3A_699 = arith.constant 0 : i32
      %dma_wait3A_700 = tpu.memref_slice %arg7[%dma_wait3A_698, %dma_wait3A_699] : memref<512x128xf32, #tpu.memory_space<vmem>> -> memref<128x128xf32, #tpu.memory_space<vmem>>
      %dma_wait3A_701 = arith.constant 0 : i32
      %dma_wait3A_702 = tpu.memref_slice %arg4[%add3A_697, %dma_wait3A_701] : memref<3276800x128xf32, #tpu.memory_space<hbm>> -> memref<128x128xf32, #tpu.memory_space<hbm>>
      %dma_wait3A_703 = arith.constant 0 : i32
      %dma_wait3A_704 = tpu.memref_slice %arg4[%add3A_697, %dma_wait3A_703] : memref<3276800x128xf32, #tpu.memory_space<hbm>> -> memref<128x128xf32, #tpu.memory_space<hbm>>
      %dma_wait3A_705 = arith.constant 384 : i32
      %dma_wait3A_706 = arith.constant 0 : i32
      %dma_wait3A_707 = tpu.memref_slice %arg7[%dma_wait3A_705, %dma_wait3A_706] : memref<512x128xf32, #tpu.memory_space<vmem>> -> memref<128x128xf32, #tpu.memory_space<vmem>>
      tpu.wait_dma2 semaphore(%arg15 : memref<!tpu.dma_semaphore, #tpu.memory_space<semaphore_mem>>) src(%dma_wait3A_707 : memref<128x128xf32, #tpu.memory_space<vmem>>) dst(%dma_wait3A_704 : memref<128x128xf32, #tpu.memory_space<hbm>>)
      %dma_start3A_708 = arith.constant 0 : i32
      %dma_start3A_709 = arith.constant 3 : i32
      %dma_start3A_710 = arith.constant 384 : i32
      %dma_start3A_711 = arith.constant 0 : i32
      %dma_start3A_712 = tpu.memref_slice %arg7[%dma_start3A_710, %dma_start3A_711] : memref<512x128xf32, #tpu.memory_space<vmem>> -> memref<128x128xf32, #tpu.memory_space<vmem>>
      %dma_start3A_713 = arith.constant 0 : i32
      %dma_start3A_714 = arith.constant 0 : i32
      %dma_start3A_715 = tpu.memref_slice %arg6[%dma_start3A_708, %dma_start3A_713, %dma_start3A_714] : memref<2x4x128xi32, #tpu.memory_space<vmem>> -> memref<1x4x128xi32, #tpu.memory_space<vmem>>
      %dma_start3A_716 = tpu.memref_squeeze %dma_start3A_715 : memref<1x4x128xi32, #tpu.memory_space<vmem>> -> memref<4x128xi32, #tpu.memory_space<vmem>>
      %dma_start3A_717 = arith.constant 0 : i32
      %dma_start3A_718 = tpu.memref_slice %dma_start3A_716[%dma_start3A_709, %dma_start3A_717] : memref<4x128xi32, #tpu.memory_space<vmem>> -> memref<1x128xi32, #tpu.memory_space<vmem>>
      %dma_start3A_719 = tpu.memref_squeeze %dma_start3A_718 : memref<1x128xi32, #tpu.memory_space<vmem>> -> memref<128xi32, #tpu.memory_space<vmem>>
      %dma_start3A_720 = arith.constant 0 : i32
      %dma_start3A_721 = arith.constant 0 : i32
      %dma_start3A_722 = tpu.memref_slice %arg5[%dma_start3A_720, %dma_start3A_721] : memref<20x128xf32, #tpu.memory_space<vmem_shared>> -> memref<20x128xf32, #tpu.memory_space<vmem_shared>>
      tpu.enqueue_indirect_dma source(%dma_start3A_722 : memref<20x128xf32, #tpu.memory_space<vmem_shared>>) target(%dma_start3A_712 : memref<128x128xf32, #tpu.memory_space<vmem>>) offsets(%dma_start3A_719 : memref<128xi32, #tpu.memory_space<vmem>>) semaphore(%arg11 : memref<!tpu.dma_semaphore, #tpu.memory_space<semaphore_mem>>)
      %dma_wait3A_723 = arith.constant 0 : i32
      %dma_wait3A_724 = arith.constant 0 : i32
      %dma_wait3A_725 = arith.constant 0 : i32
      %dma_wait3A_726 = arith.constant 0 : i32
      %dma_wait3A_727 = tpu.memref_slice %arg7[%dma_wait3A_725, %dma_wait3A_726] : memref<512x128xf32, #tpu.memory_space<vmem>> -> memref<128x128xf32, #tpu.memory_space<vmem>>
      %dma_wait3A_728 = arith.constant 0 : i32
      %dma_wait3A_729 = arith.constant 0 : i32
      %dma_wait3A_730 = tpu.memref_slice %arg6[%dma_wait3A_723, %dma_wait3A_728, %dma_wait3A_729] : memref<2x4x128xi32, #tpu.memory_space<vmem>> -> memref<1x4x128xi32, #tpu.memory_space<vmem>>
      %dma_wait3A_731 = tpu.memref_squeeze %dma_wait3A_730 : memref<1x4x128xi32, #tpu.memory_space<vmem>> -> memref<4x128xi32, #tpu.memory_space<vmem>>
      %dma_wait3A_732 = arith.constant 0 : i32
      %dma_wait3A_733 = tpu.memref_slice %dma_wait3A_731[%dma_wait3A_724, %dma_wait3A_732] : memref<4x128xi32, #tpu.memory_space<vmem>> -> memref<1x128xi32, #tpu.memory_space<vmem>>
      %dma_wait3A_734 = tpu.memref_squeeze %dma_wait3A_733 : memref<1x128xi32, #tpu.memory_space<vmem>> -> memref<128xi32, #tpu.memory_space<vmem>>
      %dma_wait3A_735 = arith.constant 0 : i32
      %dma_wait3A_736 = arith.constant 0 : i32
      %dma_wait3A_737 = tpu.memref_slice %arg5[%dma_wait3A_735, %dma_wait3A_736] : memref<20x128xf32, #tpu.memory_space<vmem_shared>> -> memref<20x128xf32, #tpu.memory_space<vmem_shared>>
      tpu.wait_indirect_dma semaphore(%arg8 : memref<!tpu.dma_semaphore, #tpu.memory_space<semaphore_mem>>) src(%dma_wait3A_737 : memref<20x128xf32, #tpu.memory_space<vmem_shared>>) dst(%dma_wait3A_727 : memref<128x128xf32, #tpu.memory_space<vmem>>)
      %mul3A_738 = arith.constant 512 : i32
      %mul3A_739 = arith.muli %mul3A_577, %mul3A_738 : i32
      %add3A_740 = arith.addi %mul3A_4, %mul3A_739 : i32
      %add3A_741 = arith.constant 0 : i32
      %add3A_742 = arith.addi %add3A_740, %add3A_741 : i32
      %dma_start3A_743 = arith.constant 0 : i32
      %dma_start3A_744 = arith.constant 0 : i32
      %dma_start3A_745 = tpu.memref_slice %arg7[%dma_start3A_743, %dma_start3A_744] : memref<512x128xf32, #tpu.memory_space<vmem>> -> memref<128x128xf32, #tpu.memory_space<vmem>>
      %dma_start3A_746 = arith.constant 0 : i32
      %dma_start3A_747 = tpu.memref_slice %arg4[%add3A_742, %dma_start3A_746] : memref<3276800x128xf32, #tpu.memory_space<hbm>> -> memref<128x128xf32, #tpu.memory_space<hbm>>
      %dma_start3A_748 = arith.constant 0 : i32
      %dma_start3A_749 = tpu.memref_slice %arg4[%add3A_742, %dma_start3A_748] : memref<3276800x128xf32, #tpu.memory_space<hbm>> -> memref<128x128xf32, #tpu.memory_space<hbm>>
      %dma_start3A_750 = arith.constant 0 : i32
      %dma_start3A_751 = arith.constant 0 : i32
      %dma_start3A_752 = tpu.memref_slice %arg7[%dma_start3A_750, %dma_start3A_751] : memref<512x128xf32, #tpu.memory_space<vmem>> -> memref<128x128xf32, #tpu.memory_space<vmem>>
      tpu.enqueue_dma source(%dma_start3A_752 : memref<128x128xf32, #tpu.memory_space<vmem>>) target(%dma_start3A_749 : memref<128x128xf32, #tpu.memory_space<hbm>>) target_semaphore(%arg12 : memref<!tpu.dma_semaphore, #tpu.memory_space<semaphore_mem>>)
      %dma_wait3A_753 = arith.constant 0 : i32
      %dma_wait3A_754 = arith.constant 1 : i32
      %dma_wait3A_755 = arith.constant 128 : i32
      %dma_wait3A_756 = arith.constant 0 : i32
      %dma_wait3A_757 = tpu.memref_slice %arg7[%dma_wait3A_755, %dma_wait3A_756] : memref<512x128xf32, #tpu.memory_space<vmem>> -> memref<128x128xf32, #tpu.memory_space<vmem>>
      %dma_wait3A_758 = arith.constant 0 : i32
      %dma_wait3A_759 = arith.constant 0 : i32
      %dma_wait3A_760 = tpu.memref_slice %arg6[%dma_wait3A_753, %dma_wait3A_758, %dma_wait3A_759] : memref<2x4x128xi32, #tpu.memory_space<vmem>> -> memref<1x4x128xi32, #tpu.memory_space<vmem>>
      %dma_wait3A_761 = tpu.memref_squeeze %dma_wait3A_760 : memref<1x4x128xi32, #tpu.memory_space<vmem>> -> memref<4x128xi32, #tpu.memory_space<vmem>>
      %dma_wait3A_762 = arith.constant 0 : i32
      %dma_wait3A_763 = tpu.memref_slice %dma_wait3A_761[%dma_wait3A_754, %dma_wait3A_762] : memref<4x128xi32, #tpu.memory_space<vmem>> -> memref<1x128xi32, #tpu.memory_space<vmem>>
      %dma_wait3A_764 = tpu.memref_squeeze %dma_wait3A_763 : memref<1x128xi32, #tpu.memory_space<vmem>> -> memref<128xi32, #tpu.memory_space<vmem>>
      %dma_wait3A_765 = arith.constant 0 : i32
      %dma_wait3A_766 = arith.constant 0 : i32
      %dma_wait3A_767 = tpu.memref_slice %arg5[%dma_wait3A_765, %dma_wait3A_766] : memref<20x128xf32, #tpu.memory_space<vmem_shared>> -> memref<20x128xf32, #tpu.memory_space<vmem_shared>>
      tpu.wait_indirect_dma semaphore(%arg9 : memref<!tpu.dma_semaphore, #tpu.memory_space<semaphore_mem>>) src(%dma_wait3A_767 : memref<20x128xf32, #tpu.memory_space<vmem_shared>>) dst(%dma_wait3A_757 : memref<128x128xf32, #tpu.memory_space<vmem>>)
      %mul3A_768 = arith.constant 512 : i32
      %mul3A_769 = arith.muli %mul3A_577, %mul3A_768 : i32
      %add3A_770 = arith.addi %mul3A_4, %mul3A_769 : i32
      %add3A_771 = arith.constant 128 : i32
      %add3A_772 = arith.addi %add3A_770, %add3A_771 : i32
      %dma_start3A_773 = arith.constant 128 : i32
      %dma_start3A_774 = arith.constant 0 : i32
      %dma_start3A_775 = tpu.memref_slice %arg7[%dma_start3A_773, %dma_start3A_774] : memref<512x128xf32, #tpu.memory_space<vmem>> -> memref<128x128xf32, #tpu.memory_space<vmem>>
      %dma_start3A_776 = arith.constant 0 : i32
      %dma_start3A_777 = tpu.memref_slice %arg4[%add3A_772, %dma_start3A_776] : memref<3276800x128xf32, #tpu.memory_space<hbm>> -> memref<128x128xf32, #tpu.memory_space<hbm>>
      %dma_start3A_778 = arith.constant 0 : i32
      %dma_start3A_779 = tpu.memref_slice %arg4[%add3A_772, %dma_start3A_778] : memref<3276800x128xf32, #tpu.memory_space<hbm>> -> memref<128x128xf32, #tpu.memory_space<hbm>>
      %dma_start3A_780 = arith.constant 128 : i32
      %dma_start3A_781 = arith.constant 0 : i32
      %dma_start3A_782 = tpu.memref_slice %arg7[%dma_start3A_780, %dma_start3A_781] : memref<512x128xf32, #tpu.memory_space<vmem>> -> memref<128x128xf32, #tpu.memory_space<vmem>>
      tpu.enqueue_dma source(%dma_start3A_782 : memref<128x128xf32, #tpu.memory_space<vmem>>) target(%dma_start3A_779 : memref<128x128xf32, #tpu.memory_space<hbm>>) target_semaphore(%arg13 : memref<!tpu.dma_semaphore, #tpu.memory_space<semaphore_mem>>)
      %dma_wait3A_783 = arith.constant 0 : i32
      %dma_wait3A_784 = arith.constant 2 : i32
      %dma_wait3A_785 = arith.constant 256 : i32
      %dma_wait3A_786 = arith.constant 0 : i32
      %dma_wait3A_787 = tpu.memref_slice %arg7[%dma_wait3A_785, %dma_wait3A_786] : memref<512x128xf32, #tpu.memory_space<vmem>> -> memref<128x128xf32, #tpu.memory_space<vmem>>
      %dma_wait3A_788 = arith.constant 0 : i32
      %dma_wait3A_789 = arith.constant 0 : i32
      %dma_wait3A_790 = tpu.memref_slice %arg6[%dma_wait3A_783, %dma_wait3A_788, %dma_wait3A_789] : memref<2x4x128xi32, #tpu.memory_space<vmem>> -> memref<1x4x128xi32, #tpu.memory_space<vmem>>
      %dma_wait3A_791 = tpu.memref_squeeze %dma_wait3A_790 : memref<1x4x128xi32, #tpu.memory_space<vmem>> -> memref<4x128xi32, #tpu.memory_space<vmem>>
      %dma_wait3A_792 = arith.constant 0 : i32
      %dma_wait3A_793 = tpu.memref_slice %dma_wait3A_791[%dma_wait3A_784, %dma_wait3A_792] : memref<4x128xi32, #tpu.memory_space<vmem>> -> memref<1x128xi32, #tpu.memory_space<vmem>>
      %dma_wait3A_794 = tpu.memref_squeeze %dma_wait3A_793 : memref<1x128xi32, #tpu.memory_space<vmem>> -> memref<128xi32, #tpu.memory_space<vmem>>
      %dma_wait3A_795 = arith.constant 0 : i32
      %dma_wait3A_796 = arith.constant 0 : i32
      %dma_wait3A_797 = tpu.memref_slice %arg5[%dma_wait3A_795, %dma_wait3A_796] : memref<20x128xf32, #tpu.memory_space<vmem_shared>> -> memref<20x128xf32, #tpu.memory_space<vmem_shared>>
      tpu.wait_indirect_dma semaphore(%arg10 : memref<!tpu.dma_semaphore, #tpu.memory_space<semaphore_mem>>) src(%dma_wait3A_797 : memref<20x128xf32, #tpu.memory_space<vmem_shared>>) dst(%dma_wait3A_787 : memref<128x128xf32, #tpu.memory_space<vmem>>)
      %mul3A_798 = arith.constant 512 : i32
      %mul3A_799 = arith.muli %mul3A_577, %mul3A_798 : i32
      %add3A_800 = arith.addi %mul3A_4, %mul3A_799 : i32
      %add3A_801 = arith.constant 256 : i32
      %add3A_802 = arith.addi %add3A_800, %add3A_801 : i32
      %dma_start3A_803 = arith.constant 256 : i32
      %dma_start3A_804 = arith.constant 0 : i32
      %dma_start3A_805 = tpu.memref_slice %arg7[%dma_start3A_803, %dma_start3A_804] : memref<512x128xf32, #tpu.memory_space<vmem>> -> memref<128x128xf32, #tpu.memory_space<vmem>>
      %dma_start3A_806 = arith.constant 0 : i32
      %dma_start3A_807 = tpu.memref_slice %arg4[%add3A_802, %dma_start3A_806] : memref<3276800x128xf32, #tpu.memory_space<hbm>> -> memref<128x128xf32, #tpu.memory_space<hbm>>
      %dma_start3A_808 = arith.constant 0 : i32
      %dma_start3A_809 = tpu.memref_slice %arg4[%add3A_802, %dma_start3A_808] : memref<3276800x128xf32, #tpu.memory_space<hbm>> -> memref<128x128xf32, #tpu.memory_space<hbm>>
      %dma_start3A_810 = arith.constant 256 : i32
      %dma_start3A_811 = arith.constant 0 : i32
      %dma_start3A_812 = tpu.memref_slice %arg7[%dma_start3A_810, %dma_start3A_811] : memref<512x128xf32, #tpu.memory_space<vmem>> -> memref<128x128xf32, #tpu.memory_space<vmem>>
      tpu.enqueue_dma source(%dma_start3A_812 : memref<128x128xf32, #tpu.memory_space<vmem>>) target(%dma_start3A_809 : memref<128x128xf32, #tpu.memory_space<hbm>>) target_semaphore(%arg14 : memref<!tpu.dma_semaphore, #tpu.memory_space<semaphore_mem>>)
      %dma_wait3A_813 = arith.constant 0 : i32
      %dma_wait3A_814 = arith.constant 3 : i32
      %dma_wait3A_815 = arith.constant 384 : i32
      %dma_wait3A_816 = arith.constant 0 : i32
      %dma_wait3A_817 = tpu.memref_slice %arg7[%dma_wait3A_815, %dma_wait3A_816] : memref<512x128xf32, #tpu.memory_space<vmem>> -> memref<128x128xf32, #tpu.memory_space<vmem>>
      %dma_wait3A_818 = arith.constant 0 : i32
      %dma_wait3A_819 = arith.constant 0 : i32
      %dma_wait3A_820 = tpu.memref_slice %arg6[%dma_wait3A_813, %dma_wait3A_818, %dma_wait3A_819] : memref<2x4x128xi32, #tpu.memory_space<vmem>> -> memref<1x4x128xi32, #tpu.memory_space<vmem>>
      %dma_wait3A_821 = tpu.memref_squeeze %dma_wait3A_820 : memref<1x4x128xi32, #tpu.memory_space<vmem>> -> memref<4x128xi32, #tpu.memory_space<vmem>>
      %dma_wait3A_822 = arith.constant 0 : i32
      %dma_wait3A_823 = tpu.memref_slice %dma_wait3A_821[%dma_wait3A_814, %dma_wait3A_822] : memref<4x128xi32, #tpu.memory_space<vmem>> -> memref<1x128xi32, #tpu.memory_space<vmem>>
      %dma_wait3A_824 = tpu.memref_squeeze %dma_wait3A_823 : memref<1x128xi32, #tpu.memory_space<vmem>> -> memref<128xi32, #tpu.memory_space<vmem>>
      %dma_wait3A_825 = arith.constant 0 : i32
      %dma_wait3A_826 = arith.constant 0 : i32
      %dma_wait3A_827 = tpu.memref_slice %arg5[%dma_wait3A_825, %dma_wait3A_826] : memref<20x128xf32, #tpu.memory_space<vmem_shared>> -> memref<20x128xf32, #tpu.memory_space<vmem_shared>>
      tpu.wait_indirect_dma semaphore(%arg11 : memref<!tpu.dma_semaphore, #tpu.memory_space<semaphore_mem>>) src(%dma_wait3A_827 : memref<20x128xf32, #tpu.memory_space<vmem_shared>>) dst(%dma_wait3A_817 : memref<128x128xf32, #tpu.memory_space<vmem>>)
      %mul3A_828 = arith.constant 512 : i32
      %mul3A_829 = arith.muli %mul3A_577, %mul3A_828 : i32
      %add3A_830 = arith.addi %mul3A_4, %mul3A_829 : i32
      %add3A_831 = arith.constant 384 : i32
      %add3A_832 = arith.addi %add3A_830, %add3A_831 : i32
      %dma_start3A_833 = arith.constant 384 : i32
      %dma_start3A_834 = arith.constant 0 : i32
      %dma_start3A_835 = tpu.memref_slice %arg7[%dma_start3A_833, %dma_start3A_834] : memref<512x128xf32, #tpu.memory_space<vmem>> -> memref<128x128xf32, #tpu.memory_space<vmem>>
      %dma_start3A_836 = arith.constant 0 : i32
      %dma_start3A_837 = tpu.memref_slice %arg4[%add3A_832, %dma_start3A_836] : memref<3276800x128xf32, #tpu.memory_space<hbm>> -> memref<128x128xf32, #tpu.memory_space<hbm>>
      %dma_start3A_838 = arith.constant 0 : i32
      %dma_start3A_839 = tpu.memref_slice %arg4[%add3A_832, %dma_start3A_838] : memref<3276800x128xf32, #tpu.memory_space<hbm>> -> memref<128x128xf32, #tpu.memory_space<hbm>>
      %dma_start3A_840 = arith.constant 384 : i32
      %dma_start3A_841 = arith.constant 0 : i32
      %dma_start3A_842 = tpu.memref_slice %arg7[%dma_start3A_840, %dma_start3A_841] : memref<512x128xf32, #tpu.memory_space<vmem>> -> memref<128x128xf32, #tpu.memory_space<vmem>>
      tpu.enqueue_dma source(%dma_start3A_842 : memref<128x128xf32, #tpu.memory_space<vmem>>) target(%dma_start3A_839 : memref<128x128xf32, #tpu.memory_space<hbm>>) target_semaphore(%arg15 : memref<!tpu.dma_semaphore, #tpu.memory_space<semaphore_mem>>)
      %add3A_843 = arith.constant 2 : i32
      %add3A_844 = arith.addi %mul3A_577, %add3A_843 : i32
      %lt3A = arith.constant 200 : i32
      %lt3A_845 = arith.cmpi slt, %add3A_844, %lt3A : i32
      %convert_element_type3A_846 = arith.extui %lt3A_845 : i1 to i32
      %cond3A_847 = arith.constant 0 : i32
      %cond3A_848 = arith.cmpi ne, %convert_element_type3A_846, %cond3A_847 : i32
      scf.if %cond3A_848 {
        %add3A_1126 = arith.constant 2 : i32
        %add3A_1127 = arith.addi %mul3A_577, %add3A_1126 : i32
        %mul3A_1128 = arith.constant 4 : i32
        %mul3A_1129 = arith.muli %add3A_1127, %mul3A_1128 : i32
        %min3A_1130 = arith.constant 796 : i32
        %min3A_1131 = arith.minsi %mul3A_1129, %min3A_1130 : i32
        %add3A_1132 = arith.addi %mul3A_2, %min3A_1131 : i32
        %dma_start3A_1133 = arith.constant 0 : i32
        %dma_start3A_1134 = arith.constant 0 : i32
        %dma_start3A_1135 = arith.constant 0 : i32
        %dma_start3A_1136 = tpu.memref_slice %arg6[%dma_start3A_1133, %dma_start3A_1134, %dma_start3A_1135] : memref<2x4x128xi32, #tpu.memory_space<vmem>> -> memref<1x4x128xi32, #tpu.memory_space<vmem>>
        %dma_start3A_1137 = tpu.memref_squeeze %dma_start3A_1136 : memref<1x4x128xi32, #tpu.memory_space<vmem>> -> memref<4x128xi32, #tpu.memory_space<vmem>>
        %dma_start3A_1138 = arith.constant 0 : i32
        %dma_start3A_1139 = tpu.memref_slice %arg2[%add3A_1132, %dma_start3A_1138] : memref<25600x128xi32, #tpu.memory_space<hbm>> -> memref<4x128xi32, #tpu.memory_space<hbm>>
        %dma_start3A_1140 = arith.constant 0 : i32
        %dma_start3A_1141 = arith.constant 0 : i32
        %dma_start3A_1142 = tpu.memref_slice %arg6[%dma_start3A_1133, %dma_start3A_1140, %dma_start3A_1141] : memref<2x4x128xi32, #tpu.memory_space<vmem>> -> memref<1x4x128xi32, #tpu.memory_space<vmem>>
        %dma_start3A_1143 = tpu.memref_squeeze %dma_start3A_1142 : memref<1x4x128xi32, #tpu.memory_space<vmem>> -> memref<4x128xi32, #tpu.memory_space<vmem>>
        %dma_start3A_1144 = arith.constant 0 : i32
        %dma_start3A_1145 = tpu.memref_slice %arg2[%add3A_1132, %dma_start3A_1144] : memref<25600x128xi32, #tpu.memory_space<hbm>> -> memref<4x128xi32, #tpu.memory_space<hbm>>
        tpu.enqueue_dma source(%dma_start3A_1145 : memref<4x128xi32, #tpu.memory_space<hbm>>) target(%dma_start3A_1143 : memref<4x128xi32, #tpu.memory_space<vmem>>) target_semaphore(%arg16 : memref<!tpu.dma_semaphore, #tpu.memory_space<semaphore_mem>>)
      } else {
      }
      %mul3A_849 = arith.constant 2 : i32
      %mul3A_850 = arith.muli %mul3A_849, %scan3A_575 : i32
      %add3A_851 = arith.constant 1 : i32
      %add3A_852 = arith.addi %mul3A_850, %add3A_851 : i32
      %mul3A_853 = arith.constant 4 : i32
      %mul3A_854 = arith.muli %add3A_852, %mul3A_853 : i32
      %min3A_855 = arith.constant 796 : i32
      %min3A_856 = arith.minsi %mul3A_854, %min3A_855 : i32
      %add3A_857 = arith.addi %mul3A_2, %min3A_856 : i32
      %dma_wait3A_858 = arith.constant 1 : i32
      %dma_wait3A_859 = arith.constant 0 : i32
      %dma_wait3A_860 = arith.constant 0 : i32
      %dma_wait3A_861 = tpu.memref_slice %arg6[%dma_wait3A_858, %dma_wait3A_859, %dma_wait3A_860] : memref<2x4x128xi32, #tpu.memory_space<vmem>> -> memref<1x4x128xi32, #tpu.memory_space<vmem>>
      %dma_wait3A_862 = tpu.memref_squeeze %dma_wait3A_861 : memref<1x4x128xi32, #tpu.memory_space<vmem>> -> memref<4x128xi32, #tpu.memory_space<vmem>>
      %dma_wait3A_863 = arith.constant 0 : i32
      %dma_wait3A_864 = tpu.memref_slice %arg2[%add3A_857, %dma_wait3A_863] : memref<25600x128xi32, #tpu.memory_space<hbm>> -> memref<4x128xi32, #tpu.memory_space<hbm>>
      %dma_wait3A_865 = arith.constant 0 : i32
      %dma_wait3A_866 = arith.constant 0 : i32
      %dma_wait3A_867 = tpu.memref_slice %arg6[%dma_wait3A_858, %dma_wait3A_865, %dma_wait3A_866] : memref<2x4x128xi32, #tpu.memory_space<vmem>> -> memref<1x4x128xi32, #tpu.memory_space<vmem>>
      %dma_wait3A_868 = tpu.memref_squeeze %dma_wait3A_867 : memref<1x4x128xi32, #tpu.memory_space<vmem>> -> memref<4x128xi32, #tpu.memory_space<vmem>>
      %dma_wait3A_869 = arith.constant 0 : i32
      %dma_wait3A_870 = tpu.memref_slice %arg2[%add3A_857, %dma_wait3A_869] : memref<25600x128xi32, #tpu.memory_space<hbm>> -> memref<4x128xi32, #tpu.memory_space<hbm>>
      tpu.wait_dma2 semaphore(%arg17 : memref<!tpu.dma_semaphore, #tpu.memory_space<semaphore_mem>>) src(%dma_wait3A_870 : memref<4x128xi32, #tpu.memory_space<hbm>>) dst(%dma_wait3A_868 : memref<4x128xi32, #tpu.memory_space<vmem>>)
      %sub3A_871 = arith.constant 1 : i32
      %sub3A_872 = arith.subi %add3A_852, %sub3A_871 : i32
      %mul3A_873 = arith.constant 512 : i32
      %mul3A_874 = arith.muli %sub3A_872, %mul3A_873 : i32
      %add3A_875 = arith.addi %mul3A_4, %mul3A_874 : i32
      %add3A_876 = arith.constant 0 : i32
      %add3A_877 = arith.addi %add3A_875, %add3A_876 : i32
      %dma_wait3A_878 = arith.constant 0 : i32
      %dma_wait3A_879 = arith.constant 0 : i32
      %dma_wait3A_880 = tpu.memref_slice %arg7[%dma_wait3A_878, %dma_wait3A_879] : memref<512x128xf32, #tpu.memory_space<vmem>> -> memref<128x128xf32, #tpu.memory_space<vmem>>
      %dma_wait3A_881 = arith.constant 0 : i32
      %dma_wait3A_882 = tpu.memref_slice %arg4[%add3A_877, %dma_wait3A_881] : memref<3276800x128xf32, #tpu.memory_space<hbm>> -> memref<128x128xf32, #tpu.memory_space<hbm>>
      %dma_wait3A_883 = arith.constant 0 : i32
      %dma_wait3A_884 = tpu.memref_slice %arg4[%add3A_877, %dma_wait3A_883] : memref<3276800x128xf32, #tpu.memory_space<hbm>> -> memref<128x128xf32, #tpu.memory_space<hbm>>
      %dma_wait3A_885 = arith.constant 0 : i32
      %dma_wait3A_886 = arith.constant 0 : i32
      %dma_wait3A_887 = tpu.memref_slice %arg7[%dma_wait3A_885, %dma_wait3A_886] : memref<512x128xf32, #tpu.memory_space<vmem>> -> memref<128x128xf32, #tpu.memory_space<vmem>>
      tpu.wait_dma2 semaphore(%arg12 : memref<!tpu.dma_semaphore, #tpu.memory_space<semaphore_mem>>) src(%dma_wait3A_887 : memref<128x128xf32, #tpu.memory_space<vmem>>) dst(%dma_wait3A_884 : memref<128x128xf32, #tpu.memory_space<hbm>>)
      %dma_start3A_888 = arith.constant 1 : i32
      %dma_start3A_889 = arith.constant 0 : i32
      %dma_start3A_890 = arith.constant 0 : i32
      %dma_start3A_891 = arith.constant 0 : i32
      %dma_start3A_892 = tpu.memref_slice %arg7[%dma_start3A_890, %dma_start3A_891] : memref<512x128xf32, #tpu.memory_space<vmem>> -> memref<128x128xf32, #tpu.memory_space<vmem>>
      %dma_start3A_893 = arith.constant 0 : i32
      %dma_start3A_894 = arith.constant 0 : i32
      %dma_start3A_895 = tpu.memref_slice %arg6[%dma_start3A_888, %dma_start3A_893, %dma_start3A_894] : memref<2x4x128xi32, #tpu.memory_space<vmem>> -> memref<1x4x128xi32, #tpu.memory_space<vmem>>
      %dma_start3A_896 = tpu.memref_squeeze %dma_start3A_895 : memref<1x4x128xi32, #tpu.memory_space<vmem>> -> memref<4x128xi32, #tpu.memory_space<vmem>>
      %dma_start3A_897 = arith.constant 0 : i32
      %dma_start3A_898 = tpu.memref_slice %dma_start3A_896[%dma_start3A_889, %dma_start3A_897] : memref<4x128xi32, #tpu.memory_space<vmem>> -> memref<1x128xi32, #tpu.memory_space<vmem>>
      %dma_start3A_899 = tpu.memref_squeeze %dma_start3A_898 : memref<1x128xi32, #tpu.memory_space<vmem>> -> memref<128xi32, #tpu.memory_space<vmem>>
      %dma_start3A_900 = arith.constant 0 : i32
      %dma_start3A_901 = arith.constant 0 : i32
      %dma_start3A_902 = tpu.memref_slice %arg5[%dma_start3A_900, %dma_start3A_901] : memref<20x128xf32, #tpu.memory_space<vmem_shared>> -> memref<20x128xf32, #tpu.memory_space<vmem_shared>>
      tpu.enqueue_indirect_dma source(%dma_start3A_902 : memref<20x128xf32, #tpu.memory_space<vmem_shared>>) target(%dma_start3A_892 : memref<128x128xf32, #tpu.memory_space<vmem>>) offsets(%dma_start3A_899 : memref<128xi32, #tpu.memory_space<vmem>>) semaphore(%arg8 : memref<!tpu.dma_semaphore, #tpu.memory_space<semaphore_mem>>)
      %sub3A_903 = arith.constant 1 : i32
      %sub3A_904 = arith.subi %add3A_852, %sub3A_903 : i32
      %mul3A_905 = arith.constant 512 : i32
      %mul3A_906 = arith.muli %sub3A_904, %mul3A_905 : i32
      %add3A_907 = arith.addi %mul3A_4, %mul3A_906 : i32
      %add3A_908 = arith.constant 128 : i32
      %add3A_909 = arith.addi %add3A_907, %add3A_908 : i32
      %dma_wait3A_910 = arith.constant 128 : i32
      %dma_wait3A_911 = arith.constant 0 : i32
      %dma_wait3A_912 = tpu.memref_slice %arg7[%dma_wait3A_910, %dma_wait3A_911] : memref<512x128xf32, #tpu.memory_space<vmem>> -> memref<128x128xf32, #tpu.memory_space<vmem>>
      %dma_wait3A_913 = arith.constant 0 : i32
      %dma_wait3A_914 = tpu.memref_slice %arg4[%add3A_909, %dma_wait3A_913] : memref<3276800x128xf32, #tpu.memory_space<hbm>> -> memref<128x128xf32, #tpu.memory_space<hbm>>
      %dma_wait3A_915 = arith.constant 0 : i32
      %dma_wait3A_916 = tpu.memref_slice %arg4[%add3A_909, %dma_wait3A_915] : memref<3276800x128xf32, #tpu.memory_space<hbm>> -> memref<128x128xf32, #tpu.memory_space<hbm>>
      %dma_wait3A_917 = arith.constant 128 : i32
      %dma_wait3A_918 = arith.constant 0 : i32
      %dma_wait3A_919 = tpu.memref_slice %arg7[%dma_wait3A_917, %dma_wait3A_918] : memref<512x128xf32, #tpu.memory_space<vmem>> -> memref<128x128xf32, #tpu.memory_space<vmem>>
      tpu.wait_dma2 semaphore(%arg13 : memref<!tpu.dma_semaphore, #tpu.memory_space<semaphore_mem>>) src(%dma_wait3A_919 : memref<128x128xf32, #tpu.memory_space<vmem>>) dst(%dma_wait3A_916 : memref<128x128xf32, #tpu.memory_space<hbm>>)
      %dma_start3A_920 = arith.constant 1 : i32
      %dma_start3A_921 = arith.constant 1 : i32
      %dma_start3A_922 = arith.constant 128 : i32
      %dma_start3A_923 = arith.constant 0 : i32
      %dma_start3A_924 = tpu.memref_slice %arg7[%dma_start3A_922, %dma_start3A_923] : memref<512x128xf32, #tpu.memory_space<vmem>> -> memref<128x128xf32, #tpu.memory_space<vmem>>
      %dma_start3A_925 = arith.constant 0 : i32
      %dma_start3A_926 = arith.constant 0 : i32
      %dma_start3A_927 = tpu.memref_slice %arg6[%dma_start3A_920, %dma_start3A_925, %dma_start3A_926] : memref<2x4x128xi32, #tpu.memory_space<vmem>> -> memref<1x4x128xi32, #tpu.memory_space<vmem>>
      %dma_start3A_928 = tpu.memref_squeeze %dma_start3A_927 : memref<1x4x128xi32, #tpu.memory_space<vmem>> -> memref<4x128xi32, #tpu.memory_space<vmem>>
      %dma_start3A_929 = arith.constant 0 : i32
      %dma_start3A_930 = tpu.memref_slice %dma_start3A_928[%dma_start3A_921, %dma_start3A_929] : memref<4x128xi32, #tpu.memory_space<vmem>> -> memref<1x128xi32, #tpu.memory_space<vmem>>
      %dma_start3A_931 = tpu.memref_squeeze %dma_start3A_930 : memref<1x128xi32, #tpu.memory_space<vmem>> -> memref<128xi32, #tpu.memory_space<vmem>>
      %dma_start3A_932 = arith.constant 0 : i32
      %dma_start3A_933 = arith.constant 0 : i32
      %dma_start3A_934 = tpu.memref_slice %arg5[%dma_start3A_932, %dma_start3A_933] : memref<20x128xf32, #tpu.memory_space<vmem_shared>> -> memref<20x128xf32, #tpu.memory_space<vmem_shared>>
      tpu.enqueue_indirect_dma source(%dma_start3A_934 : memref<20x128xf32, #tpu.memory_space<vmem_shared>>) target(%dma_start3A_924 : memref<128x128xf32, #tpu.memory_space<vmem>>) offsets(%dma_start3A_931 : memref<128xi32, #tpu.memory_space<vmem>>) semaphore(%arg9 : memref<!tpu.dma_semaphore, #tpu.memory_space<semaphore_mem>>)
      %sub3A_935 = arith.constant 1 : i32
      %sub3A_936 = arith.subi %add3A_852, %sub3A_935 : i32
      %mul3A_937 = arith.constant 512 : i32
      %mul3A_938 = arith.muli %sub3A_936, %mul3A_937 : i32
      %add3A_939 = arith.addi %mul3A_4, %mul3A_938 : i32
      %add3A_940 = arith.constant 256 : i32
      %add3A_941 = arith.addi %add3A_939, %add3A_940 : i32
      %dma_wait3A_942 = arith.constant 256 : i32
      %dma_wait3A_943 = arith.constant 0 : i32
      %dma_wait3A_944 = tpu.memref_slice %arg7[%dma_wait3A_942, %dma_wait3A_943] : memref<512x128xf32, #tpu.memory_space<vmem>> -> memref<128x128xf32, #tpu.memory_space<vmem>>
      %dma_wait3A_945 = arith.constant 0 : i32
      %dma_wait3A_946 = tpu.memref_slice %arg4[%add3A_941, %dma_wait3A_945] : memref<3276800x128xf32, #tpu.memory_space<hbm>> -> memref<128x128xf32, #tpu.memory_space<hbm>>
      %dma_wait3A_947 = arith.constant 0 : i32
      %dma_wait3A_948 = tpu.memref_slice %arg4[%add3A_941, %dma_wait3A_947] : memref<3276800x128xf32, #tpu.memory_space<hbm>> -> memref<128x128xf32, #tpu.memory_space<hbm>>
      %dma_wait3A_949 = arith.constant 256 : i32
      %dma_wait3A_950 = arith.constant 0 : i32
      %dma_wait3A_951 = tpu.memref_slice %arg7[%dma_wait3A_949, %dma_wait3A_950] : memref<512x128xf32, #tpu.memory_space<vmem>> -> memref<128x128xf32, #tpu.memory_space<vmem>>
      tpu.wait_dma2 semaphore(%arg14 : memref<!tpu.dma_semaphore, #tpu.memory_space<semaphore_mem>>) src(%dma_wait3A_951 : memref<128x128xf32, #tpu.memory_space<vmem>>) dst(%dma_wait3A_948 : memref<128x128xf32, #tpu.memory_space<hbm>>)
      %dma_start3A_952 = arith.constant 1 : i32
      %dma_start3A_953 = arith.constant 2 : i32
      %dma_start3A_954 = arith.constant 256 : i32
      %dma_start3A_955 = arith.constant 0 : i32
      %dma_start3A_956 = tpu.memref_slice %arg7[%dma_start3A_954, %dma_start3A_955] : memref<512x128xf32, #tpu.memory_space<vmem>> -> memref<128x128xf32, #tpu.memory_space<vmem>>
      %dma_start3A_957 = arith.constant 0 : i32
      %dma_start3A_958 = arith.constant 0 : i32
      %dma_start3A_959 = tpu.memref_slice %arg6[%dma_start3A_952, %dma_start3A_957, %dma_start3A_958] : memref<2x4x128xi32, #tpu.memory_space<vmem>> -> memref<1x4x128xi32, #tpu.memory_space<vmem>>
      %dma_start3A_960 = tpu.memref_squeeze %dma_start3A_959 : memref<1x4x128xi32, #tpu.memory_space<vmem>> -> memref<4x128xi32, #tpu.memory_space<vmem>>
      %dma_start3A_961 = arith.constant 0 : i32
      %dma_start3A_962 = tpu.memref_slice %dma_start3A_960[%dma_start3A_953, %dma_start3A_961] : memref<4x128xi32, #tpu.memory_space<vmem>> -> memref<1x128xi32, #tpu.memory_space<vmem>>
      %dma_start3A_963 = tpu.memref_squeeze %dma_start3A_962 : memref<1x128xi32, #tpu.memory_space<vmem>> -> memref<128xi32, #tpu.memory_space<vmem>>
      %dma_start3A_964 = arith.constant 0 : i32
      %dma_start3A_965 = arith.constant 0 : i32
      %dma_start3A_966 = tpu.memref_slice %arg5[%dma_start3A_964, %dma_start3A_965] : memref<20x128xf32, #tpu.memory_space<vmem_shared>> -> memref<20x128xf32, #tpu.memory_space<vmem_shared>>
      tpu.enqueue_indirect_dma source(%dma_start3A_966 : memref<20x128xf32, #tpu.memory_space<vmem_shared>>) target(%dma_start3A_956 : memref<128x128xf32, #tpu.memory_space<vmem>>) offsets(%dma_start3A_963 : memref<128xi32, #tpu.memory_space<vmem>>) semaphore(%arg10 : memref<!tpu.dma_semaphore, #tpu.memory_space<semaphore_mem>>)
      %sub3A_967 = arith.constant 1 : i32
      %sub3A_968 = arith.subi %add3A_852, %sub3A_967 : i32
      %mul3A_969 = arith.constant 512 : i32
      %mul3A_970 = arith.muli %sub3A_968, %mul3A_969 : i32
      %add3A_971 = arith.addi %mul3A_4, %mul3A_970 : i32
      %add3A_972 = arith.constant 384 : i32
      %add3A_973 = arith.addi %add3A_971, %add3A_972 : i32
      %dma_wait3A_974 = arith.constant 384 : i32
      %dma_wait3A_975 = arith.constant 0 : i32
      %dma_wait3A_976 = tpu.memref_slice %arg7[%dma_wait3A_974, %dma_wait3A_975] : memref<512x128xf32, #tpu.memory_space<vmem>> -> memref<128x128xf32, #tpu.memory_space<vmem>>
      %dma_wait3A_977 = arith.constant 0 : i32
      %dma_wait3A_978 = tpu.memref_slice %arg4[%add3A_973, %dma_wait3A_977] : memref<3276800x128xf32, #tpu.memory_space<hbm>> -> memref<128x128xf32, #tpu.memory_space<hbm>>
      %dma_wait3A_979 = arith.constant 0 : i32
      %dma_wait3A_980 = tpu.memref_slice %arg4[%add3A_973, %dma_wait3A_979] : memref<3276800x128xf32, #tpu.memory_space<hbm>> -> memref<128x128xf32, #tpu.memory_space<hbm>>
      %dma_wait3A_981 = arith.constant 384 : i32
      %dma_wait3A_982 = arith.constant 0 : i32
      %dma_wait3A_983 = tpu.memref_slice %arg7[%dma_wait3A_981, %dma_wait3A_982] : memref<512x128xf32, #tpu.memory_space<vmem>> -> memref<128x128xf32, #tpu.memory_space<vmem>>
      tpu.wait_dma2 semaphore(%arg15 : memref<!tpu.dma_semaphore, #tpu.memory_space<semaphore_mem>>) src(%dma_wait3A_983 : memref<128x128xf32, #tpu.memory_space<vmem>>) dst(%dma_wait3A_980 : memref<128x128xf32, #tpu.memory_space<hbm>>)
      %dma_start3A_984 = arith.constant 1 : i32
      %dma_start3A_985 = arith.constant 3 : i32
      %dma_start3A_986 = arith.constant 384 : i32
      %dma_start3A_987 = arith.constant 0 : i32
      %dma_start3A_988 = tpu.memref_slice %arg7[%dma_start3A_986, %dma_start3A_987] : memref<512x128xf32, #tpu.memory_space<vmem>> -> memref<128x128xf32, #tpu.memory_space<vmem>>
      %dma_start3A_989 = arith.constant 0 : i32
      %dma_start3A_990 = arith.constant 0 : i32
      %dma_start3A_991 = tpu.memref_slice %arg6[%dma_start3A_984, %dma_start3A_989, %dma_start3A_990] : memref<2x4x128xi32, #tpu.memory_space<vmem>> -> memref<1x4x128xi32, #tpu.memory_space<vmem>>
      %dma_start3A_992 = tpu.memref_squeeze %dma_start3A_991 : memref<1x4x128xi32, #tpu.memory_space<vmem>> -> memref<4x128xi32, #tpu.memory_space<vmem>>
      %dma_start3A_993 = arith.constant 0 : i32
      %dma_start3A_994 = tpu.memref_slice %dma_start3A_992[%dma_start3A_985, %dma_start3A_993] : memref<4x128xi32, #tpu.memory_space<vmem>> -> memref<1x128xi32, #tpu.memory_space<vmem>>
      %dma_start3A_995 = tpu.memref_squeeze %dma_start3A_994 : memref<1x128xi32, #tpu.memory_space<vmem>> -> memref<128xi32, #tpu.memory_space<vmem>>
      %dma_start3A_996 = arith.constant 0 : i32
      %dma_start3A_997 = arith.constant 0 : i32
      %dma_start3A_998 = tpu.memref_slice %arg5[%dma_start3A_996, %dma_start3A_997] : memref<20x128xf32, #tpu.memory_space<vmem_shared>> -> memref<20x128xf32, #tpu.memory_space<vmem_shared>>
      tpu.enqueue_indirect_dma source(%dma_start3A_998 : memref<20x128xf32, #tpu.memory_space<vmem_shared>>) target(%dma_start3A_988 : memref<128x128xf32, #tpu.memory_space<vmem>>) offsets(%dma_start3A_995 : memref<128xi32, #tpu.memory_space<vmem>>) semaphore(%arg11 : memref<!tpu.dma_semaphore, #tpu.memory_space<semaphore_mem>>)
      %dma_wait3A_999 = arith.constant 1 : i32
      %dma_wait3A_1000 = arith.constant 0 : i32
      %dma_wait3A_1001 = arith.constant 0 : i32
      %dma_wait3A_1002 = arith.constant 0 : i32
      %dma_wait3A_1003 = tpu.memref_slice %arg7[%dma_wait3A_1001, %dma_wait3A_1002] : memref<512x128xf32, #tpu.memory_space<vmem>> -> memref<128x128xf32, #tpu.memory_space<vmem>>
      %dma_wait3A_1004 = arith.constant 0 : i32
      %dma_wait3A_1005 = arith.constant 0 : i32
      %dma_wait3A_1006 = tpu.memref_slice %arg6[%dma_wait3A_999, %dma_wait3A_1004, %dma_wait3A_1005] : memref<2x4x128xi32, #tpu.memory_space<vmem>> -> memref<1x4x128xi32, #tpu.memory_space<vmem>>
      %dma_wait3A_1007 = tpu.memref_squeeze %dma_wait3A_1006 : memref<1x4x128xi32, #tpu.memory_space<vmem>> -> memref<4x128xi32, #tpu.memory_space<vmem>>
      %dma_wait3A_1008 = arith.constant 0 : i32
      %dma_wait3A_1009 = tpu.memref_slice %dma_wait3A_1007[%dma_wait3A_1000, %dma_wait3A_1008] : memref<4x128xi32, #tpu.memory_space<vmem>> -> memref<1x128xi32, #tpu.memory_space<vmem>>
      %dma_wait3A_1010 = tpu.memref_squeeze %dma_wait3A_1009 : memref<1x128xi32, #tpu.memory_space<vmem>> -> memref<128xi32, #tpu.memory_space<vmem>>
      %dma_wait3A_1011 = arith.constant 0 : i32
      %dma_wait3A_1012 = arith.constant 0 : i32
      %dma_wait3A_1013 = tpu.memref_slice %arg5[%dma_wait3A_1011, %dma_wait3A_1012] : memref<20x128xf32, #tpu.memory_space<vmem_shared>> -> memref<20x128xf32, #tpu.memory_space<vmem_shared>>
      tpu.wait_indirect_dma semaphore(%arg8 : memref<!tpu.dma_semaphore, #tpu.memory_space<semaphore_mem>>) src(%dma_wait3A_1013 : memref<20x128xf32, #tpu.memory_space<vmem_shared>>) dst(%dma_wait3A_1003 : memref<128x128xf32, #tpu.memory_space<vmem>>)
      %mul3A_1014 = arith.constant 512 : i32
      %mul3A_1015 = arith.muli %add3A_852, %mul3A_1014 : i32
      %add3A_1016 = arith.addi %mul3A_4, %mul3A_1015 : i32
      %add3A_1017 = arith.constant 0 : i32
      %add3A_1018 = arith.addi %add3A_1016, %add3A_1017 : i32
      %dma_start3A_1019 = arith.constant 0 : i32
      %dma_start3A_1020 = arith.constant 0 : i32
      %dma_start3A_1021 = tpu.memref_slice %arg7[%dma_start3A_1019, %dma_start3A_1020] : memref<512x128xf32, #tpu.memory_space<vmem>> -> memref<128x128xf32, #tpu.memory_space<vmem>>
      %dma_start3A_1022 = arith.constant 0 : i32
      %dma_start3A_1023 = tpu.memref_slice %arg4[%add3A_1018, %dma_start3A_1022] : memref<3276800x128xf32, #tpu.memory_space<hbm>> -> memref<128x128xf32, #tpu.memory_space<hbm>>
      %dma_start3A_1024 = arith.constant 0 : i32
      %dma_start3A_1025 = tpu.memref_slice %arg4[%add3A_1018, %dma_start3A_1024] : memref<3276800x128xf32, #tpu.memory_space<hbm>> -> memref<128x128xf32, #tpu.memory_space<hbm>>
      %dma_start3A_1026 = arith.constant 0 : i32
      %dma_start3A_1027 = arith.constant 0 : i32
      %dma_start3A_1028 = tpu.memref_slice %arg7[%dma_start3A_1026, %dma_start3A_1027] : memref<512x128xf32, #tpu.memory_space<vmem>> -> memref<128x128xf32, #tpu.memory_space<vmem>>
      tpu.enqueue_dma source(%dma_start3A_1028 : memref<128x128xf32, #tpu.memory_space<vmem>>) target(%dma_start3A_1025 : memref<128x128xf32, #tpu.memory_space<hbm>>) target_semaphore(%arg12 : memref<!tpu.dma_semaphore, #tpu.memory_space<semaphore_mem>>)
      %dma_wait3A_1029 = arith.constant 1 : i32
      %dma_wait3A_1030 = arith.constant 1 : i32
      %dma_wait3A_1031 = arith.constant 128 : i32
      %dma_wait3A_1032 = arith.constant 0 : i32
      %dma_wait3A_1033 = tpu.memref_slice %arg7[%dma_wait3A_1031, %dma_wait3A_1032] : memref<512x128xf32, #tpu.memory_space<vmem>> -> memref<128x128xf32, #tpu.memory_space<vmem>>
      %dma_wait3A_1034 = arith.constant 0 : i32
      %dma_wait3A_1035 = arith.constant 0 : i32
      %dma_wait3A_1036 = tpu.memref_slice %arg6[%dma_wait3A_1029, %dma_wait3A_1034, %dma_wait3A_1035] : memref<2x4x128xi32, #tpu.memory_space<vmem>> -> memref<1x4x128xi32, #tpu.memory_space<vmem>>
      %dma_wait3A_1037 = tpu.memref_squeeze %dma_wait3A_1036 : memref<1x4x128xi32, #tpu.memory_space<vmem>> -> memref<4x128xi32, #tpu.memory_space<vmem>>
      %dma_wait3A_1038 = arith.constant 0 : i32
      %dma_wait3A_1039 = tpu.memref_slice %dma_wait3A_1037[%dma_wait3A_1030, %dma_wait3A_1038] : memref<4x128xi32, #tpu.memory_space<vmem>> -> memref<1x128xi32, #tpu.memory_space<vmem>>
      %dma_wait3A_1040 = tpu.memref_squeeze %dma_wait3A_1039 : memref<1x128xi32, #tpu.memory_space<vmem>> -> memref<128xi32, #tpu.memory_space<vmem>>
      %dma_wait3A_1041 = arith.constant 0 : i32
      %dma_wait3A_1042 = arith.constant 0 : i32
      %dma_wait3A_1043 = tpu.memref_slice %arg5[%dma_wait3A_1041, %dma_wait3A_1042] : memref<20x128xf32, #tpu.memory_space<vmem_shared>> -> memref<20x128xf32, #tpu.memory_space<vmem_shared>>
      tpu.wait_indirect_dma semaphore(%arg9 : memref<!tpu.dma_semaphore, #tpu.memory_space<semaphore_mem>>) src(%dma_wait3A_1043 : memref<20x128xf32, #tpu.memory_space<vmem_shared>>) dst(%dma_wait3A_1033 : memref<128x128xf32, #tpu.memory_space<vmem>>)
      %mul3A_1044 = arith.constant 512 : i32
      %mul3A_1045 = arith.muli %add3A_852, %mul3A_1044 : i32
      %add3A_1046 = arith.addi %mul3A_4, %mul3A_1045 : i32
      %add3A_1047 = arith.constant 128 : i32
      %add3A_1048 = arith.addi %add3A_1046, %add3A_1047 : i32
      %dma_start3A_1049 = arith.constant 128 : i32
      %dma_start3A_1050 = arith.constant 0 : i32
      %dma_start3A_1051 = tpu.memref_slice %arg7[%dma_start3A_1049, %dma_start3A_1050] : memref<512x128xf32, #tpu.memory_space<vmem>> -> memref<128x128xf32, #tpu.memory_space<vmem>>
      %dma_start3A_1052 = arith.constant 0 : i32
      %dma_start3A_1053 = tpu.memref_slice %arg4[%add3A_1048, %dma_start3A_1052] : memref<3276800x128xf32, #tpu.memory_space<hbm>> -> memref<128x128xf32, #tpu.memory_space<hbm>>
      %dma_start3A_1054 = arith.constant 0 : i32
      %dma_start3A_1055 = tpu.memref_slice %arg4[%add3A_1048, %dma_start3A_1054] : memref<3276800x128xf32, #tpu.memory_space<hbm>> -> memref<128x128xf32, #tpu.memory_space<hbm>>
      %dma_start3A_1056 = arith.constant 128 : i32
      %dma_start3A_1057 = arith.constant 0 : i32
      %dma_start3A_1058 = tpu.memref_slice %arg7[%dma_start3A_1056, %dma_start3A_1057] : memref<512x128xf32, #tpu.memory_space<vmem>> -> memref<128x128xf32, #tpu.memory_space<vmem>>
      tpu.enqueue_dma source(%dma_start3A_1058 : memref<128x128xf32, #tpu.memory_space<vmem>>) target(%dma_start3A_1055 : memref<128x128xf32, #tpu.memory_space<hbm>>) target_semaphore(%arg13 : memref<!tpu.dma_semaphore, #tpu.memory_space<semaphore_mem>>)
      %dma_wait3A_1059 = arith.constant 1 : i32
      %dma_wait3A_1060 = arith.constant 2 : i32
      %dma_wait3A_1061 = arith.constant 256 : i32
      %dma_wait3A_1062 = arith.constant 0 : i32
      %dma_wait3A_1063 = tpu.memref_slice %arg7[%dma_wait3A_1061, %dma_wait3A_1062] : memref<512x128xf32, #tpu.memory_space<vmem>> -> memref<128x128xf32, #tpu.memory_space<vmem>>
      %dma_wait3A_1064 = arith.constant 0 : i32
      %dma_wait3A_1065 = arith.constant 0 : i32
      %dma_wait3A_1066 = tpu.memref_slice %arg6[%dma_wait3A_1059, %dma_wait3A_1064, %dma_wait3A_1065] : memref<2x4x128xi32, #tpu.memory_space<vmem>> -> memref<1x4x128xi32, #tpu.memory_space<vmem>>
      %dma_wait3A_1067 = tpu.memref_squeeze %dma_wait3A_1066 : memref<1x4x128xi32, #tpu.memory_space<vmem>> -> memref<4x128xi32, #tpu.memory_space<vmem>>
      %dma_wait3A_1068 = arith.constant 0 : i32
      %dma_wait3A_1069 = tpu.memref_slice %dma_wait3A_1067[%dma_wait3A_1060, %dma_wait3A_1068] : memref<4x128xi32, #tpu.memory_space<vmem>> -> memref<1x128xi32, #tpu.memory_space<vmem>>
      %dma_wait3A_1070 = tpu.memref_squeeze %dma_wait3A_1069 : memref<1x128xi32, #tpu.memory_space<vmem>> -> memref<128xi32, #tpu.memory_space<vmem>>
      %dma_wait3A_1071 = arith.constant 0 : i32
      %dma_wait3A_1072 = arith.constant 0 : i32
      %dma_wait3A_1073 = tpu.memref_slice %arg5[%dma_wait3A_1071, %dma_wait3A_1072] : memref<20x128xf32, #tpu.memory_space<vmem_shared>> -> memref<20x128xf32, #tpu.memory_space<vmem_shared>>
      tpu.wait_indirect_dma semaphore(%arg10 : memref<!tpu.dma_semaphore, #tpu.memory_space<semaphore_mem>>) src(%dma_wait3A_1073 : memref<20x128xf32, #tpu.memory_space<vmem_shared>>) dst(%dma_wait3A_1063 : memref<128x128xf32, #tpu.memory_space<vmem>>)
      %mul3A_1074 = arith.constant 512 : i32
      %mul3A_1075 = arith.muli %add3A_852, %mul3A_1074 : i32
      %add3A_1076 = arith.addi %mul3A_4, %mul3A_1075 : i32
      %add3A_1077 = arith.constant 256 : i32
      %add3A_1078 = arith.addi %add3A_1076, %add3A_1077 : i32
      %dma_start3A_1079 = arith.constant 256 : i32
      %dma_start3A_1080 = arith.constant 0 : i32
      %dma_start3A_1081 = tpu.memref_slice %arg7[%dma_start3A_1079, %dma_start3A_1080] : memref<512x128xf32, #tpu.memory_space<vmem>> -> memref<128x128xf32, #tpu.memory_space<vmem>>
      %dma_start3A_1082 = arith.constant 0 : i32
      %dma_start3A_1083 = tpu.memref_slice %arg4[%add3A_1078, %dma_start3A_1082] : memref<3276800x128xf32, #tpu.memory_space<hbm>> -> memref<128x128xf32, #tpu.memory_space<hbm>>
      %dma_start3A_1084 = arith.constant 0 : i32
      %dma_start3A_1085 = tpu.memref_slice %arg4[%add3A_1078, %dma_start3A_1084] : memref<3276800x128xf32, #tpu.memory_space<hbm>> -> memref<128x128xf32, #tpu.memory_space<hbm>>
      %dma_start3A_1086 = arith.constant 256 : i32
      %dma_start3A_1087 = arith.constant 0 : i32
      %dma_start3A_1088 = tpu.memref_slice %arg7[%dma_start3A_1086, %dma_start3A_1087] : memref<512x128xf32, #tpu.memory_space<vmem>> -> memref<128x128xf32, #tpu.memory_space<vmem>>
      tpu.enqueue_dma source(%dma_start3A_1088 : memref<128x128xf32, #tpu.memory_space<vmem>>) target(%dma_start3A_1085 : memref<128x128xf32, #tpu.memory_space<hbm>>) target_semaphore(%arg14 : memref<!tpu.dma_semaphore, #tpu.memory_space<semaphore_mem>>)
      %dma_wait3A_1089 = arith.constant 1 : i32
      %dma_wait3A_1090 = arith.constant 3 : i32
      %dma_wait3A_1091 = arith.constant 384 : i32
      %dma_wait3A_1092 = arith.constant 0 : i32
      %dma_wait3A_1093 = tpu.memref_slice %arg7[%dma_wait3A_1091, %dma_wait3A_1092] : memref<512x128xf32, #tpu.memory_space<vmem>> -> memref<128x128xf32, #tpu.memory_space<vmem>>
      %dma_wait3A_1094 = arith.constant 0 : i32
      %dma_wait3A_1095 = arith.constant 0 : i32
      %dma_wait3A_1096 = tpu.memref_slice %arg6[%dma_wait3A_1089, %dma_wait3A_1094, %dma_wait3A_1095] : memref<2x4x128xi32, #tpu.memory_space<vmem>> -> memref<1x4x128xi32, #tpu.memory_space<vmem>>
      %dma_wait3A_1097 = tpu.memref_squeeze %dma_wait3A_1096 : memref<1x4x128xi32, #tpu.memory_space<vmem>> -> memref<4x128xi32, #tpu.memory_space<vmem>>
      %dma_wait3A_1098 = arith.constant 0 : i32
      %dma_wait3A_1099 = tpu.memref_slice %dma_wait3A_1097[%dma_wait3A_1090, %dma_wait3A_1098] : memref<4x128xi32, #tpu.memory_space<vmem>> -> memref<1x128xi32, #tpu.memory_space<vmem>>
      %dma_wait3A_1100 = tpu.memref_squeeze %dma_wait3A_1099 : memref<1x128xi32, #tpu.memory_space<vmem>> -> memref<128xi32, #tpu.memory_space<vmem>>
      %dma_wait3A_1101 = arith.constant 0 : i32
      %dma_wait3A_1102 = arith.constant 0 : i32
      %dma_wait3A_1103 = tpu.memref_slice %arg5[%dma_wait3A_1101, %dma_wait3A_1102] : memref<20x128xf32, #tpu.memory_space<vmem_shared>> -> memref<20x128xf32, #tpu.memory_space<vmem_shared>>
      tpu.wait_indirect_dma semaphore(%arg11 : memref<!tpu.dma_semaphore, #tpu.memory_space<semaphore_mem>>) src(%dma_wait3A_1103 : memref<20x128xf32, #tpu.memory_space<vmem_shared>>) dst(%dma_wait3A_1093 : memref<128x128xf32, #tpu.memory_space<vmem>>)
      %mul3A_1104 = arith.constant 512 : i32
      %mul3A_1105 = arith.muli %add3A_852, %mul3A_1104 : i32
      %add3A_1106 = arith.addi %mul3A_4, %mul3A_1105 : i32
      %add3A_1107 = arith.constant 384 : i32
      %add3A_1108 = arith.addi %add3A_1106, %add3A_1107 : i32
      %dma_start3A_1109 = arith.constant 384 : i32
      %dma_start3A_1110 = arith.constant 0 : i32
      %dma_start3A_1111 = tpu.memref_slice %arg7[%dma_start3A_1109, %dma_start3A_1110] : memref<512x128xf32, #tpu.memory_space<vmem>> -> memref<128x128xf32, #tpu.memory_space<vmem>>
      %dma_start3A_1112 = arith.constant 0 : i32
      %dma_start3A_1113 = tpu.memref_slice %arg4[%add3A_1108, %dma_start3A_1112] : memref<3276800x128xf32, #tpu.memory_space<hbm>> -> memref<128x128xf32, #tpu.memory_space<hbm>>
      %dma_start3A_1114 = arith.constant 0 : i32
      %dma_start3A_1115 = tpu.memref_slice %arg4[%add3A_1108, %dma_start3A_1114] : memref<3276800x128xf32, #tpu.memory_space<hbm>> -> memref<128x128xf32, #tpu.memory_space<hbm>>
      %dma_start3A_1116 = arith.constant 384 : i32
      %dma_start3A_1117 = arith.constant 0 : i32
      %dma_start3A_1118 = tpu.memref_slice %arg7[%dma_start3A_1116, %dma_start3A_1117] : memref<512x128xf32, #tpu.memory_space<vmem>> -> memref<128x128xf32, #tpu.memory_space<vmem>>
      tpu.enqueue_dma source(%dma_start3A_1118 : memref<128x128xf32, #tpu.memory_space<vmem>>) target(%dma_start3A_1115 : memref<128x128xf32, #tpu.memory_space<hbm>>) target_semaphore(%arg15 : memref<!tpu.dma_semaphore, #tpu.memory_space<semaphore_mem>>)
      %add3A_1119 = arith.constant 2 : i32
      %add3A_1120 = arith.addi %add3A_852, %add3A_1119 : i32
      %lt3A_1121 = arith.constant 200 : i32
      %lt3A_1122 = arith.cmpi slt, %add3A_1120, %lt3A_1121 : i32
      %convert_element_type3A_1123 = arith.extui %lt3A_1122 : i1 to i32
      %cond3A_1124 = arith.constant 0 : i32
      %cond3A_1125 = arith.cmpi ne, %convert_element_type3A_1123, %cond3A_1124 : i32
      scf.if %cond3A_1125 {
        %add3A_1126 = arith.constant 2 : i32
        %add3A_1127 = arith.addi %add3A_852, %add3A_1126 : i32
        %mul3A_1128 = arith.constant 4 : i32
        %mul3A_1129 = arith.muli %add3A_1127, %mul3A_1128 : i32
        %min3A_1130 = arith.constant 796 : i32
        %min3A_1131 = arith.minsi %mul3A_1129, %min3A_1130 : i32
        %add3A_1132 = arith.addi %mul3A_2, %min3A_1131 : i32
        %dma_start3A_1133 = arith.constant 1 : i32
        %dma_start3A_1134 = arith.constant 0 : i32
        %dma_start3A_1135 = arith.constant 0 : i32
        %dma_start3A_1136 = tpu.memref_slice %arg6[%dma_start3A_1133, %dma_start3A_1134, %dma_start3A_1135] : memref<2x4x128xi32, #tpu.memory_space<vmem>> -> memref<1x4x128xi32, #tpu.memory_space<vmem>>
        %dma_start3A_1137 = tpu.memref_squeeze %dma_start3A_1136 : memref<1x4x128xi32, #tpu.memory_space<vmem>> -> memref<4x128xi32, #tpu.memory_space<vmem>>
        %dma_start3A_1138 = arith.constant 0 : i32
        %dma_start3A_1139 = tpu.memref_slice %arg2[%add3A_1132, %dma_start3A_1138] : memref<25600x128xi32, #tpu.memory_space<hbm>> -> memref<4x128xi32, #tpu.memory_space<hbm>>
        %dma_start3A_1140 = arith.constant 0 : i32
        %dma_start3A_1141 = arith.constant 0 : i32
        %dma_start3A_1142 = tpu.memref_slice %arg6[%dma_start3A_1133, %dma_start3A_1140, %dma_start3A_1141] : memref<2x4x128xi32, #tpu.memory_space<vmem>> -> memref<1x4x128xi32, #tpu.memory_space<vmem>>
        %dma_start3A_1143 = tpu.memref_squeeze %dma_start3A_1142 : memref<1x4x128xi32, #tpu.memory_space<vmem>> -> memref<4x128xi32, #tpu.memory_space<vmem>>
        %dma_start3A_1144 = arith.constant 0 : i32
        %dma_start3A_1145 = tpu.memref_slice %arg2[%add3A_1132, %dma_start3A_1144] : memref<25600x128xi32, #tpu.memory_space<hbm>> -> memref<4x128xi32, #tpu.memory_space<hbm>>
        tpu.enqueue_dma source(%dma_start3A_1145 : memref<4x128xi32, #tpu.memory_space<hbm>>) target(%dma_start3A_1143 : memref<4x128xi32, #tpu.memory_space<vmem>>) target_semaphore(%arg17 : memref<!tpu.dma_semaphore, #tpu.memory_space<semaphore_mem>>)
      } else {
      }
    }
    %scan3A_518 = arith.constant 99 : i32
    %add3A_519 = arith.constant 101888 : i32
    %add3A_520 = arith.addi %mul3A_4, %add3A_519 : i32
    %add3A_521 = arith.constant 0 : i32
    %add3A_522 = arith.addi %add3A_520, %add3A_521 : i32
    %dma_wait3A_523 = arith.constant 0 : i32
    %dma_wait3A_524 = arith.constant 0 : i32
    %dma_wait3A_525 = tpu.memref_slice %arg7[%dma_wait3A_523, %dma_wait3A_524] : memref<512x128xf32, #tpu.memory_space<vmem>> -> memref<128x128xf32, #tpu.memory_space<vmem>>
    %dma_wait3A_526 = arith.constant 0 : i32
    %dma_wait3A_527 = tpu.memref_slice %arg4[%add3A_522, %dma_wait3A_526] : memref<3276800x128xf32, #tpu.memory_space<hbm>> -> memref<128x128xf32, #tpu.memory_space<hbm>>
    %dma_wait3A_528 = arith.constant 0 : i32
    %dma_wait3A_529 = tpu.memref_slice %arg4[%add3A_522, %dma_wait3A_528] : memref<3276800x128xf32, #tpu.memory_space<hbm>> -> memref<128x128xf32, #tpu.memory_space<hbm>>
    %dma_wait3A_530 = arith.constant 0 : i32
    %dma_wait3A_531 = arith.constant 0 : i32
    %dma_wait3A_532 = tpu.memref_slice %arg7[%dma_wait3A_530, %dma_wait3A_531] : memref<512x128xf32, #tpu.memory_space<vmem>> -> memref<128x128xf32, #tpu.memory_space<vmem>>
    tpu.wait_dma2 semaphore(%arg12 : memref<!tpu.dma_semaphore, #tpu.memory_space<semaphore_mem>>) src(%dma_wait3A_532 : memref<128x128xf32, #tpu.memory_space<vmem>>) dst(%dma_wait3A_529 : memref<128x128xf32, #tpu.memory_space<hbm>>)
    %add3A_533 = arith.constant 101888 : i32
    %add3A_534 = arith.addi %mul3A_4, %add3A_533 : i32
    %add3A_535 = arith.constant 128 : i32
    %add3A_536 = arith.addi %add3A_534, %add3A_535 : i32
    %dma_wait3A_537 = arith.constant 128 : i32
    %dma_wait3A_538 = arith.constant 0 : i32
    %dma_wait3A_539 = tpu.memref_slice %arg7[%dma_wait3A_537, %dma_wait3A_538] : memref<512x128xf32, #tpu.memory_space<vmem>> -> memref<128x128xf32, #tpu.memory_space<vmem>>
    %dma_wait3A_540 = arith.constant 0 : i32
    %dma_wait3A_541 = tpu.memref_slice %arg4[%add3A_536, %dma_wait3A_540] : memref<3276800x128xf32, #tpu.memory_space<hbm>> -> memref<128x128xf32, #tpu.memory_space<hbm>>
    %dma_wait3A_542 = arith.constant 0 : i32
    %dma_wait3A_543 = tpu.memref_slice %arg4[%add3A_536, %dma_wait3A_542] : memref<3276800x128xf32, #tpu.memory_space<hbm>> -> memref<128x128xf32, #tpu.memory_space<hbm>>
    %dma_wait3A_544 = arith.constant 128 : i32
    %dma_wait3A_545 = arith.constant 0 : i32
    %dma_wait3A_546 = tpu.memref_slice %arg7[%dma_wait3A_544, %dma_wait3A_545] : memref<512x128xf32, #tpu.memory_space<vmem>> -> memref<128x128xf32, #tpu.memory_space<vmem>>
    tpu.wait_dma2 semaphore(%arg13 : memref<!tpu.dma_semaphore, #tpu.memory_space<semaphore_mem>>) src(%dma_wait3A_546 : memref<128x128xf32, #tpu.memory_space<vmem>>) dst(%dma_wait3A_543 : memref<128x128xf32, #tpu.memory_space<hbm>>)
    %add3A_547 = arith.constant 101888 : i32
    %add3A_548 = arith.addi %mul3A_4, %add3A_547 : i32
    %add3A_549 = arith.constant 256 : i32
    %add3A_550 = arith.addi %add3A_548, %add3A_549 : i32
    %dma_wait3A_551 = arith.constant 256 : i32
    %dma_wait3A_552 = arith.constant 0 : i32
    %dma_wait3A_553 = tpu.memref_slice %arg7[%dma_wait3A_551, %dma_wait3A_552] : memref<512x128xf32, #tpu.memory_space<vmem>> -> memref<128x128xf32, #tpu.memory_space<vmem>>
    %dma_wait3A_554 = arith.constant 0 : i32
    %dma_wait3A_555 = tpu.memref_slice %arg4[%add3A_550, %dma_wait3A_554] : memref<3276800x128xf32, #tpu.memory_space<hbm>> -> memref<128x128xf32, #tpu.memory_space<hbm>>
    %dma_wait3A_556 = arith.constant 0 : i32
    %dma_wait3A_557 = tpu.memref_slice %arg4[%add3A_550, %dma_wait3A_556] : memref<3276800x128xf32, #tpu.memory_space<hbm>> -> memref<128x128xf32, #tpu.memory_space<hbm>>
    %dma_wait3A_558 = arith.constant 256 : i32
    %dma_wait3A_559 = arith.constant 0 : i32
    %dma_wait3A_560 = tpu.memref_slice %arg7[%dma_wait3A_558, %dma_wait3A_559] : memref<512x128xf32, #tpu.memory_space<vmem>> -> memref<128x128xf32, #tpu.memory_space<vmem>>
    tpu.wait_dma2 semaphore(%arg14 : memref<!tpu.dma_semaphore, #tpu.memory_space<semaphore_mem>>) src(%dma_wait3A_560 : memref<128x128xf32, #tpu.memory_space<vmem>>) dst(%dma_wait3A_557 : memref<128x128xf32, #tpu.memory_space<hbm>>)
    %add3A_561 = arith.constant 101888 : i32
    %add3A_562 = arith.addi %mul3A_4, %add3A_561 : i32
    %add3A_563 = arith.constant 384 : i32
    %add3A_564 = arith.addi %add3A_562, %add3A_563 : i32
    %dma_wait3A_565 = arith.constant 384 : i32
    %dma_wait3A_566 = arith.constant 0 : i32
    %dma_wait3A_567 = tpu.memref_slice %arg7[%dma_wait3A_565, %dma_wait3A_566] : memref<512x128xf32, #tpu.memory_space<vmem>> -> memref<128x128xf32, #tpu.memory_space<vmem>>
    %dma_wait3A_568 = arith.constant 0 : i32
    %dma_wait3A_569 = tpu.memref_slice %arg4[%add3A_564, %dma_wait3A_568] : memref<3276800x128xf32, #tpu.memory_space<hbm>> -> memref<128x128xf32, #tpu.memory_space<hbm>>
    %dma_wait3A_570 = arith.constant 0 : i32
    %dma_wait3A_571 = tpu.memref_slice %arg4[%add3A_564, %dma_wait3A_570] : memref<3276800x128xf32, #tpu.memory_space<hbm>> -> memref<128x128xf32, #tpu.memory_space<hbm>>
    %dma_wait3A_572 = arith.constant 384 : i32
    %dma_wait3A_573 = arith.constant 0 : i32
    %dma_wait3A_574 = tpu.memref_slice %arg7[%dma_wait3A_572, %dma_wait3A_573] : memref<512x128xf32, #tpu.memory_space<vmem>> -> memref<128x128xf32, #tpu.memory_space<vmem>>
    tpu.wait_dma2 semaphore(%arg15 : memref<!tpu.dma_semaphore, #tpu.memory_space<semaphore_mem>>) src(%dma_wait3A_574 : memref<128x128xf32, #tpu.memory_space<vmem>>) dst(%dma_wait3A_571 : memref<128x128xf32, #tpu.memory_space<hbm>>)
    return
  }
}

</mosaic_0001>

<sc_bundles>
// kernel: kernel.3.cloned.1.call-start
scs
__scs_entry_jumppad:
0x0: {  	(pc) =	sbr.rel $0x88, $3  }
0x1: {  	(tag) =	ssettag $0x0;
	lr =	simm.s32 $0x1  }
0x2: {  	[smem:$0x3F9F] =	sst lr;
	_ =	strace $0xD0000000  }
0x3: {  	_ = 	snop  }
0x4: {  	_ = 	snop  }
0x5: {  	_ = 	snop  }
0x6: {  	_ = 	snop  }
0x7: {  	_ = 	snop  }
__scs_overlays_trampoline_lowered:
0x8: {  	[smem:$0x3FAE] =	sst s0  }
0x9: {  	[smem:$0x3FAF] =	sst s1  }
0xa: {  	[smem:$0x3FB0] =	sst s2  }
0xb: {  	[smem:$0x3FB1] =	sst s3  }
0xc: {  	[smem:$0x3FB2] =	sst s4  }
0xd: {  	[smem:$0x3FB3] =	sst s5  }
0xe: {  	[smem:$0x3FB4] =	sst s6  }
0xf: {  	[smem:$0x3FB5] =	sst s7  }
0x10: {  	[smem:$0x3FB6] =	sst s8  }
0x11: {  	[smem:$0x3FB7] =	sst s9;
	s0 =	simm.s32 @!p0 $0x0  }
0x12: {  	s1 =	sld [smem:$0x3F9D];
	s0 =	simm.s32 @p0 $0x1  }
0x13: {  	[smem:$0x3FB8] =	sst s0;
	s0 =	simm.s32 @!p1 $0x0  }
0x14: {  	s2 =	sld [smem:$0x3F9C];
	s0 =	simm.s32 @p1 $0x1  }
0x15: {  	[smem:$0x3FB9] =	sst s0;
	s0 =	simm.s32 @!p2 $0x0  }
0x16: {  	s3 =	sld [smem:$0x3FDB];
	s0 =	simm.s32 @p2 $0x1  }
0x17: {  	s4 =	simm.s32 $0x1BF5;
	[smem:$0x3FBB] =	sst s0  }
0x18: {  	s0 =	sld [smem:$0x3F9E];
	_ =	swait.ge [sflag:s4], $0x0  }
0x19: {  	s7 =	sld [smem:$0x3F9F]  }
0x1a: {  	s8 =	sadd.s32 $0xFFFFE003, lr  }
0x1b: {  	s9 =	sadd.s32 $0xFFFFFEF7, lr;
	s5 =	simm.s32 $0xFFFFFFFF;
	p2 =	slt.u32 s8, $0xFFFFF086  }
0x1c: {  	p1 =	slt.u32 s9, $0xF7A;
	s5 =	simm.s32 @!p2 $0x0  }
0x1d: {  	s5 =	simm.s32 @p1 $0x1;
	p0 =	seq.s32 s7, s2  }
0x1e: {  	s7 =	smul.u32 @!p0 $0xF7A, s2;
	p2 =	seq.s32 @!p0 s5, $0x0  }
0x1f: {  	s9 =	smul.u32 $0xF7A, s1;
	s8 =	simm.s32 @!p0 $0x1BF5;
	p2 =	por !p2, p0  }
0x20: {  	[sflag:s8] =	ssyncset.s32 @!p0 $0xFFFFF086;
	s6 =	sadd.s32 @!p0 s3, s7;
	s7 =	simm.s32 @!p0 $0x108  }
0x21: {  	s3 =	sadd.s32 s3, s9;
	s6 =	sadd.s32 @!p0 $0x88, s6;
	s7 =	simm.s32 @p2 $0x1082  }
0x22: {  	[simem:s7], [sflag:s8] =	dma.local @!p0 [hbm:s6], $0xF7A  }
0x23: {  	s9 =	sor.u32 $0xD0000000, s2;
	s6 =	simm.s32 $0x108;
	_ =	swait.ge @!p0 [sflag:s8], $0x0  }
0x24: {  	s3 =	sadd.s32 $0x88, s3;
	s6 =	simm.s32 @!p1 $0x1082;
	[sflag:s4] =	ssyncset.s32 $0xFFFFF086  }
0x25: {  	[simem:s6], [sflag:s4] =	dma.local [hbm:s3], $0xF7A  }
0x26: {  	[smem:$0x3F9F] =	sst s1;
	(tag) =	ssettag s2;
	_ =	strace s9  }
0x27: {  	s1 =	sld [smem:$0x3FAF]  }
0x28: {  	s2 =	sld [smem:$0x3FB0]  }
0x29: {  	s4 =	sld [smem:$0x3FB2]  }
0x2a: {  	p0 =	seq.s32 s5, $0x0;
	s5 =	sld [smem:$0x3FB3]  }
0x2b: {  	s6 =	sld [smem:$0x3FB4]  }
0x2c: {  	s7 =	sld [smem:$0x3FB5]  }
0x2d: {  	s3 =	simm.s32 $0x108;
	s8 =	sld [smem:$0x3FB6]  }
0x2e: {  	s3 =	simm.s32 @!p0 $0x1082;
	s9 =	sld [smem:$0x3FB7]  }
0x2f: {  	lr =	sadd.s32 s0, s3;
	s0 =	sld [smem:$0x3FAE]  }
0x30: {  	s3 =	sld [smem:$0x3FB1]  }
0x31: {  	[smem:$0x3FBA] =	sst s10  }
0x32: {  	s10 =	sld [smem:$0x3FB8];
	_ =	sdelay $0x3  }
0x33: {  	p0 =	seq.s32 s10, $0x1;
	s10 =	sld [smem:$0x3FBA];
	_ =	sdelay $0x3  }
0x34: {  	[smem:$0x3FBA] =	sst s10  }
0x35: {  	s10 =	sld [smem:$0x3FB9];
	_ =	sdelay $0x3  }
0x36: {  	p1 =	seq.s32 s10, $0x1;
	s10 =	sld [smem:$0x3FBA];
	_ =	sdelay $0x3  }
0x37: {  	[smem:$0x3FBA] =	sst s10  }
0x38: {  	s10 =	sld [smem:$0x3FBB]  }
0x39: {  	_ = 	snop;
	(pc) =	sbr.ind lr, $3  }
0x3a: {  	_ = 	snop  }
0x3b: {  	_ = 	snop  }
0x3c: {  	p2 =	seq.s32 s10, $0x1;
	s10 =	sld [smem:$0x3FBA]  }
0x3d: {  	_ =	shalt  }
0x3e: {  	_ =	shalt  }
0x3f: {  	_ =	shalt  }
0x40: {  	_ =	shalt  }
0x41: {  	_ =	shalt  }
0x42: {  	_ =	shalt  }
0x43: {  	_ =	shalt  }
0x44: {  	_ =	shalt  }
0x45: {  	_ =	shalt  }
0x46: {  	_ =	shalt  }
0x47: {  	_ =	shalt  }
0x48: {  	_ =	shalt  }
0x49: {  	_ =	shalt  }
0x4a: {  	_ =	shalt  }
0x4b: {  	_ =	shalt  }
0x4c: {  	_ =	shalt  }
0x4d: {  	_ =	shalt  }
0x4e: {  	_ =	shalt  }
0x4f: {  	_ =	shalt  }
0x50: {  	_ =	shalt  }
0x51: {  	_ =	shalt  }
0x52: {  	_ =	shalt  }
0x53: {  	_ =	shalt  }
0x54: {  	_ =	shalt  }
0x55: {  	_ =	shalt  }
0x56: {  	_ =	shalt  }
0x57: {  	_ =	shalt  }
0x58: {  	_ =	shalt  }
0x59: {  	_ =	shalt  }
0x5a: {  	_ =	shalt  }
0x5b: {  	_ =	shalt  }
0x5c: {  	_ =	shalt  }
0x5d: {  	_ =	shalt  }
0x5e: {  	_ =	shalt  }
0x5f: {  	_ =	shalt  }
0x60: {  	_ =	shalt  }
0x61: {  	_ =	shalt  }
0x62: {  	_ =	shalt  }
0x63: {  	_ =	shalt  }
0x64: {  	_ =	shalt  }
0x65: {  	_ =	shalt  }
0x66: {  	_ =	shalt  }
0x67: {  	_ =	shalt  }
0x68: {  	_ =	shalt  }
0x69: {  	_ =	shalt  }
0x6a: {  	_ =	shalt  }
0x6b: {  	_ =	shalt  }
0x6c: {  	_ =	shalt  }
0x6d: {  	_ =	shalt  }
0x6e: {  	_ =	shalt  }
0x6f: {  	_ =	shalt  }
0x70: {  	_ =	shalt  }
0x71: {  	_ =	shalt  }
0x72: {  	_ =	shalt  }
0x73: {  	_ =	shalt  }
0x74: {  	_ =	shalt  }
0x75: {  	_ =	shalt  }
0x76: {  	_ =	shalt  }
0x77: {  	_ =	shalt  }
0x78: {  	_ =	shalt  }
0x79: {  	_ =	shalt  }
0x7a: {  	_ =	shalt  }
0x7b: {  	_ =	shalt  }
0x7c: {  	_ =	shalt  }
0x7d: {  	_ =	shalt  }
0x7e: {  	_ =	shalt  }
0x7f: {  	_ =	shalt  }
0x80: {  	_ =	shalt  }
0x81: {  	_ =	shalt  }
0x82: {  	_ =	shalt  }
0x83: {  	_ =	shalt  }
0x84: {  	_ =	shalt  }
0x85: {  	_ =	shalt  }
0x86: {  	_ =	shalt  }
0x87: {  	_ =	shalt  }
.Lfunc_end0:
.L_simem_size_0:
called_computation_lowered:
.L_overlay_start_0:
0x88: {  	s2 =	sld [smem:$0x3FD9]  }
0x89: {  	s3 =	sld [smem:$0x3FFE];
	_ =	sdelay $0x1  }
0x8a: {  	s1 =	srdreg.scid  }
0x8b: {  	s0 =	sand.u32 $0x1, s1  }
0x8c: {  	s17 =	sshll.u32 s0, $0xA;
	s2 =	sadd.s32 s3, s2  }
0x8d: {  	s2 =	sadd.s32 s2, s17  }
0x8e: {  	[smem:$0x3FC6] =	sst s2  }
0x8f: {  	_ = 	snop  }
0x90: {  	s2 =	sld [smem:$0x3FC8]  }
0x91: {  	s18 =	sld [smem:$0x3FD0];
	(tm) =	ssettm $0x1  }
0x92: {  	s4 =	sld [smem:$0x3FFB];
	_ =	sdelay $0x3  }
0x93: {  	_ =	strace s4  }
0x94: {  	s4 =	sld [smem:$0x3FFC];
	_ =	sdelay $0x3  }
0x95: {  	_ =	strace s4  }
0x96: {  	s4 =	sld [smem:$0x3FFD];
	_ =	sdelay $0x3  }
0x97: {  	_ =	strace s4  }
0x98: {  	_ =	strace $0x8FFFFFFF  }
0x99: {  	s19 =	sld [smem:$0x3FDB];
	_ =	sdelay $0x1  }
0x9a: {  	s5 =	simm.s32 $_scs_section_size  }
0x9b: {  	s6 =	simm.s32 $_size__tile_overlayer_lowered;
	s7 =	simm.s32 $_tile_overlayer_lowered  }
0x9c: {  	s22 =	simm.s32 $0x1BFF;
	s21 =	sshll.u32 s7, $0x1;
	s4 =	sadd.s32 s5, s19  }
0x9d: {  	s8 =	simm.s32 $0x0;
	s20 =	sshll.u32 s6, $0x1;
	s6 =	sadd.s32 s21, s4  }
0x9e: {  	[timem:s8], [sflag:s22] =	dma.local [hbm:s6], s20  }
0x9f: {  	_ =	swait.ge [sflag:s22], s20  }
0xa0: {  	s5 =	ssub.s32 $0x0, s20;
	[sflag:s22] =	ssyncset.done $0x0  }
0xa1: {  	[sflag:s22] =	ssyncadd.s32 s5;
	_ =	sdelay $0x1  }
0xa2: {  	s23 =	simm.s32 $0x1B8B  }
0xa3: {  	_ =	swait.ge [sflag:s23], $0x1  }
0xa4: {  	[sflag:s23] =	ssyncset.done $0x0  }
0xa5: {  	s25 =	simm.s32 $0x1B8E;
	s24 =	sld [smem:$0x3FFE];
	[sflag:s23] =	ssyncadd.s32 $0xFFFFFFFF  }
0xa6: {  	s26 =	simm.s32 $execute0_lowered;
	[smem:$0x3FD2] =	sst s25  }
0xa7: {  	s6 =	sshll.u32 s26, $0x1;
	_ =	strace $0x80000046;
	[dreg:$0x1] =	wrdreg $0xFFFFFFFF  }
0xa8: {  	s28 =	simm.s32 $_size_execute0_lowered;
	s4 =	sadd.s32 s4, s6;
	[dreg:$0x0] =	wrdreg $0x0  }
0xa9: {  	s6 =	sshll.u32 s28, $0x1;
	[dreg:$0x2] =	wrdreg s4  }
0xaa: {  	[dreg:$0x3] =	wrdreg s6  }
0xab: {  	[dreg:$0x4] =	wrdreg $0xC0  }
0xac: {  	_ =	task [dreg:s8], $0x5FFFF  }
0xad: {  	[dreg:$0x1] =	wrdreg $0xFFFFFFFF  }
0xae: {  	[dreg:$0x0] =	wrdreg $0x60  }
0xaf: {  	[dreg:$0x2] =	wrdreg s24  }
0xb0: {  	[dreg:$0x3] =	wrdreg s2  }
0xb1: {  	[dreg:$0x4] =	wrdreg s18  }
0xb2: {  	[dreg:$0x5] =	wrdreg $0x0  }
0xb3: {  	[dreg:$0x6] =	wrdreg $0x9  }
0xb4: {  	_ =	task.clear_ibuf [dreg:s8], $0x7FFFF;
	_ =	strace $0x90000046  }
0xb5: {  	s29 =	simm.s32 $0x9;
	_ =	strace $0x80000048  }
0xb6: {  	_ =	swait.ge [sflag:s29], $0x1  }
0xb7: {  	[sflag:s29] =	ssyncadd.s32 $0xFFFFFFFF  }
0xb8: {  	_ =	strace $0x90000048  }
0xb9: {  	_ =	sfence  }
0xba: {  	s30 =	sld [smem:$0x0];
	_ =	sdelay $0x2  }
0xbb: {  	s31 =	sshll.u32 s1, $0xD;
	s1 =	sshrl.u32 s1, $0x2  }
0xbc: {  	s3 =	sand.u32 $0x4000, s31;
	s1 =	sadd.s32 s1, s30  }
0xbd: {  	s0 =	sor.u32 s3, s0;
	s1 =	sshll.u32 s1, $0x11  }
0xbe: {  	s0 =	sor.u32 s1, s0  }
0xbf: {  	s0 =	sadd.s32 $0x8F2B, s0  }
0xc0: {  	[sflag:s0] =	ssyncadd.remote.s32 $0x1  }
0xc1: {  	_ =	sfence.sel $0xFFFF  }
0xc2: {  	[dreg:$0x0] =	wrdreg $0xFFFFFFFF;
	(pc) =	sbr.abs _section_cstart, $3  }
0xc3: {  	[dreg:$0x1] =	wrdreg $0xFFFFFFFF  }
0xc4: {  	_ =	task.clear_ibuf [dreg:s8], $0x2FFFF;
	_ =	strace $0x9FFFFFFF  }
0xc5: {  	(tm) =	ssettm $0x7FFFFFFF  }
tec
execute0_lowered:
.L_overlay_start_1:
0x0: {  	(tag) =	ssettag $0x1  }
0x1: {  	s0 =	rddreg [dreg:$0x0]  }
0x2: {  	s1 =	rddreg [dreg:$0x2];
	s3 =	srdreg.scid  }
0x3: {  	s5 =	stileid.u32;
	s2 =	rddreg [dreg:$0x3];
	s28 =	simm.s32 $0x80  }
0x4: {  	s29 =	simm.s32 $0x4A0;
	s31 =	simm.s32 $0x44A0;
	s13 =	simm.s32 $0x4  }
0x5: {  	s14 =	simm.s32 $0xA;
	s7 =	sand.u32 $0x1, s3;
	s19 =	smul.u32 $0x32000, s5  }
0x6: {  	s4 =	sshll.u32 s5, $0x1;
	s3 =	simm.s32 $0x0;
	s26 =	smul.u32 $0x320000, s5  }
0x7: {  	p0 =	sne.s32 s5, $0x0;
	s5 =	simm.s32 $0x0;
	s22 =	smul.u32 $0x19000, s7  }
0x8: {  	s6 =	sor.u32 s7, s4;
	s8 =	ssub.s32 $0x2, s7;
	s7 =	smul.u32 $0x190000, s7  }
0x9: {  	[smem:$0x7FF] =	sst s3;
	s4 =	sadd.s32 $0x400, s0;
	s10 =	smul.u32 $0x190000, s6  }
0xa: {  	s9 =	smul.u32 $0x3200, s6;
	s15 =	sshrl.u32 s8, $0x1;
	_ =	strace $0x80000047  }
0xb: {  	s6 =	smul.u32 $0x320, s6;
	s0 =	ssub.s32 s8, s15;
	s10 =	sadd.s32 s1, s10  }
0xc: {  	s8 =	sadd.s32 s22, s19;
	s11 =	sadd.s32 s4, s9;
	[dreg:$0x7] =	wrdreg s10  }
0xd: {  	s15 =	simm.s32 $0x5;
	s0 =	smax.u32 s0, $0x1;
	[dreg:$0x5] =	wrdreg s11  }
0xe: {  	s19 =	simm.s32 $0x7;
	s16 =	sadd.s32 $0x40, s11;
	[dreg:$0x11] =	wrdreg s0  }
0xf: {  	s8 =	sshll.u32 s8, $0x4;
	s17 =	sadd.s32 $0x800, s10;
	[dreg:$0x6] =	wrdreg s16  }
0x10: {  	s9 =	simm.s32 $0xC4A0;
	s18 =	sadd.s32 $0x1000, s10;
	[dreg:$0x8] =	wrdreg s17  }
0x11: {  	s20 =	sadd.s32 $0x1800, s10;
	s21 =	sadd.s32 $0x80, s11;
	[dreg:$0x9] =	wrdreg s18  }
0x12: {  	s12 =	sadd.s32 $0x2000, s10;
	s23 =	sadd.s32 $0x2800, s10;
	[dreg:$0xa] =	wrdreg s20  }
0x13: {  	s24 =	sadd.s32 $0x3000, s10;
	s10 =	sadd.s32 $0x3800, s10;
	[dreg:$0xb] =	wrdreg s21  }
0x14: {  	s25 =	sadd.s32 $0xC0, s11;
	s30 =	sadd.s32 s8, s1;
	[dreg:$0xc] =	wrdreg s12  }
0x15: {  	s1 =	sadd.s32 s26, s1;
	s0 =	sshrl.u32 @!p0 s2, $0x3;
	[dreg:$0xd] =	wrdreg s23  }
0x16: {  	s26 =	simm.s32 $0x9;
	s11 =	simm.s32 $0x2;
	[dreg:$0xe] =	wrdreg s24  }
.Ltmp0:
0x17: {  	s8 =	simm.s32 $0x8;
	[dreg:$0xf] =	wrdreg s10;
	(pc) =	sbr.rel .LBB2_1-.Ltmp0, $4  }
0x18: {  	[dreg:$0x10] =	wrdreg s25;
	s18 =	sor.u32 $0xC, s6;
	s20 =	sadd.s32 $0x6000, s30  }
0x19: {  	s21 =	sadd.s32 s7, s1;
	s22 =	sadd.s32 $0x4000, s30;
	[dreg:$0x12] =	wrdreg s0  }
0x1a: {  	s25 =	simm.s32 $0x2A0;
	s0 =	simm.s32 $0x84A0;
	s10 =	simm.s32 $0x1  }
0x1b: {  	s12 =	simm.s32 $0x3;
	s16 =	simm.s32 $0x6;
	s23 =	simm.s32 $0xA0  }
.LBB2_4:
0x1c: {  	_ =	swait.ge [sflag:s15], $0x4000  }
0x1d: {  	[sflag:s15] =	ssyncset.done $0x0  }
0x1e: {  	[sflag:s15] =	ssyncadd.s32 $0xFFFFC000  }
0x1f: {  	_ =	swait.ge [sflag:s16], $0x4000  }
0x20: {  	[sflag:s16] =	ssyncset.done $0x0  }
0x21: {  	[sflag:s16] =	ssyncadd.s32 $0xFFFFC000  }
0x22: {  	_ =	swait.ge [sflag:s19], $0x4000  }
0x23: {  	[sflag:s19] =	ssyncset.done $0x0  }
0x24: {  	[sflag:s19] =	ssyncadd.s32 $0xFFFFC000  }
0x25: {  	_ =	swait.ge [sflag:s8], $0x4000  }
0x26: {  	s5 =	rddreg [dreg:$0x13]  }
0x27: {  	s1 =	rddreg [dreg:$0x11];
	s5 =	sadd.s32 $0x1, s5  }
0x28: {  	p1 =	sne.s32 s5, s1  }
.Ltmp1:
0x29: {  	_ = 	snop;
	(pc) =	sbr.rel @!p1 .LBB2_5-.Ltmp1, $3  }
0x2a: {  	_ =	sdelay $0x1  }
0x2b: {  	[sflag:s8] =	ssyncset.done $0x0  }
0x2c: {  	[sflag:s8] =	ssyncadd.s32 $0xFFFFC000  }
.LBB2_1:
0x2d: {  	[dreg:$0x13] =	wrdreg s5  }
0x2e: {  	s5 =	rddreg [dreg:$0x1]  }
0x2f: {  	s1 =	simm.s32 @!p0 $0x1C0B;
	s7 =	rddreg [dreg:$0x12]  }
0x30: {  	[spmem:s7], [sflag:s1] =	dma.local @!p0 [hbm:s5], $0x140  }
0x31: {  	s1 =	simm.s32 @!p0 $0xB  }
0x32: {  	_ =	swait.ge @!p0 [sflag:s1], $0x140  }
0x33: {  	[sflag:s1] =	ssyncset.done @!p0 $0x0  }
0x34: {  	[sflag:s1] =	ssyncadd.s32 @!p0 $0xFFFFFEC0  }
0x35: {  	[bflag:$0x0] =	sbarrier.arrive $0xFFFF  }
0x36: {  	s5 =	simm.s32 $0xA0;
	s24 =	rddreg [dreg:$0x5]  }
0x37: {  	[tilespmem:s5], [sflag:$0x9] =	stream.linear.gather [hbm4b:s24+s3], $0x200, $0x38;
	[tilespmem:$0x104A0] =	vst v63  }
0x38: {  	s7 =	rddreg [dreg:$0x6]  }
0x39: {  	[tilespmem:s25], [sflag:$0xA] =	stream.linear.gather [hbm4b:s7+s3], $0x200, $0x38;
	[tilespmem:$0x104A0] =	vst v63  }
0x3a: {  	_ =	swait.ge [sflag:s26], $0x200  }
0x3b: {  	[sflag:s26] =	ssyncset.done $0x0  }
0x3c: {  	[sflag:s26] =	ssyncadd.s32 $0xFFFFFE00  }
0x3d: {  	[tilespmem:s29], [sflag:$0x1] =	stream.indirect.gather [spmem:s2], $0x80, s5, s28, $0xb8;
	[tilespmem:$0x104A0] =	vst v63  }
0x3e: {  	s17 =	simm.s32 $0x120  }
0x3f: {  	[tilespmem:s31], [sflag:$0x2] =	stream.indirect.gather [spmem:s2], $0x80, s17, s28, $0xb8;
	[tilespmem:$0x104A0] =	vst v63  }
0x40: {  	s24 =	simm.s32 $0x1A0  }
0x41: {  	[tilespmem:s0], [sflag:$0x3] =	stream.indirect.gather [spmem:s2], $0x80, s24, s28, $0xb8;
	[tilespmem:$0x104A0] =	vst v63  }
0x42: {  	s7 =	simm.s32 $0x220  }
0x43: {  	[tilespmem:s9], [sflag:$0x4] =	stream.indirect.gather [spmem:s2], $0x80, s7, s28, $0xb8;
	[tilespmem:$0x104A0] =	vst v63  }
0x44: {  	_ =	swait.ge [sflag:s10], $0x4000  }
0x45: {  	[sflag:s10] =	ssyncset.done $0x0  }
0x46: {  	s17 =	rddreg [dreg:$0x7];
	[sflag:s10] =	ssyncadd.s32 $0xFFFFC000  }
0x47: {  	[hbm4b:s17+s3] =	stream.linear.scatter [tilespmem:s29], [sflag:$0x5], $0x4000, $0x38;
	[tilespmem:$0x104A0] =	vst v63  }
0x48: {  	_ =	swait.ge [sflag:s11], $0x4000  }
0x49: {  	[sflag:s11] =	ssyncset.done $0x0  }
0x4a: {  	s24 =	rddreg [dreg:$0x8];
	[sflag:s11] =	ssyncadd.s32 $0xFFFFC000  }
0x4b: {  	[hbm4b:s24+s3] =	stream.linear.scatter [tilespmem:s31], [sflag:$0x6], $0x4000, $0x38;
	[tilespmem:$0x104A0] =	vst v63  }
0x4c: {  	_ =	swait.ge [sflag:s12], $0x4000  }
0x4d: {  	[sflag:s12] =	ssyncset.done $0x0  }
0x4e: {  	s7 =	rddreg [dreg:$0x9];
	[sflag:s12] =	ssyncadd.s32 $0xFFFFC000  }
0x4f: {  	[hbm4b:s7+s3] =	stream.linear.scatter [tilespmem:s0], [sflag:$0x7], $0x4000, $0x38;
	[tilespmem:$0x104A0] =	vst v63  }
0x50: {  	_ =	swait.ge [sflag:s13], $0x4000  }
0x51: {  	[sflag:s13] =	ssyncset.done $0x0  }
0x52: {  	s17 =	rddreg [dreg:$0xa];
	[sflag:s13] =	ssyncadd.s32 $0xFFFFC000  }
0x53: {  	[hbm4b:s17+s3] =	stream.linear.scatter [tilespmem:s9], [sflag:$0x8], $0x4000, $0x38;
	[tilespmem:$0x104A0] =	vst v63  }
0x54: {  	s24 =	rddreg [dreg:$0xb]  }
0x55: {  	[tilespmem:s5], [sflag:$0x9] =	stream.linear.gather [hbm4b:s24+s3], $0x200, $0x38;
	[tilespmem:$0x104A0] =	vst v63  }
0x56: {  	_ =	swait.ge [sflag:s14], $0x200  }
0x57: {  	[sflag:s14] =	ssyncset.done $0x0  }
0x58: {  	[sflag:s14] =	ssyncadd.s32 $0xFFFFFE00  }
0x59: {  	_ =	swait.ge [sflag:s15], $0x4000  }
0x5a: {  	[sflag:s15] =	ssyncset.done $0x0  }
0x5b: {  	[sflag:s15] =	ssyncadd.s32 $0xFFFFC000  }
0x5c: {  	[tilespmem:s29], [sflag:$0x1] =	stream.indirect.gather [spmem:s2], $0x80, s25, s28, $0xb8;
	[tilespmem:$0x104A0] =	vst v63  }
0x5d: {  	_ =	swait.ge [sflag:s16], $0x4000  }
0x5e: {  	[sflag:s16] =	ssyncset.done $0x0  }
0x5f: {  	s5 =	simm.s32 $0x320;
	[sflag:s16] =	ssyncadd.s32 $0xFFFFC000  }
0x60: {  	[tilespmem:s31], [sflag:$0x2] =	stream.indirect.gather [spmem:s2], $0x80, s5, s28, $0xb8;
	[tilespmem:$0x104A0] =	vst v63  }
0x61: {  	_ =	swait.ge [sflag:s19], $0x4000  }
0x62: {  	[sflag:s19] =	ssyncset.done $0x0  }
0x63: {  	s7 =	simm.s32 $0x3A0;
	[sflag:s19] =	ssyncadd.s32 $0xFFFFC000  }
0x64: {  	[tilespmem:s0], [sflag:$0x3] =	stream.indirect.gather [spmem:s2], $0x80, s7, s28, $0xb8;
	[tilespmem:$0x104A0] =	vst v63  }
0x65: {  	_ =	swait.ge [sflag:s8], $0x4000  }
0x66: {  	[sflag:s8] =	ssyncset.done $0x0  }
0x67: {  	s17 =	simm.s32 $0x420;
	[sflag:s8] =	ssyncadd.s32 $0xFFFFC000  }
0x68: {  	[tilespmem:s9], [sflag:$0x4] =	stream.indirect.gather [spmem:s2], $0x80, s17, s28, $0xb8;
	[tilespmem:$0x104A0] =	vst v63  }
0x69: {  	_ =	swait.ge [sflag:s10], $0x4000  }
0x6a: {  	[sflag:s10] =	ssyncset.done $0x0  }
0x6b: {  	s24 =	rddreg [dreg:$0xc];
	[sflag:s10] =	ssyncadd.s32 $0xFFFFC000  }
0x6c: {  	[hbm4b:s24+s3] =	stream.linear.scatter [tilespmem:s29], [sflag:$0x5], $0x4000, $0x38;
	[tilespmem:$0x104A0] =	vst v63  }
0x6d: {  	_ =	swait.ge [sflag:s11], $0x4000  }
0x6e: {  	[sflag:s11] =	ssyncset.done $0x0  }
0x6f: {  	s5 =	rddreg [dreg:$0xd];
	[sflag:s11] =	ssyncadd.s32 $0xFFFFC000  }
0x70: {  	[hbm4b:s5+s3] =	stream.linear.scatter [tilespmem:s31], [sflag:$0x6], $0x4000, $0x38;
	[tilespmem:$0x104A0] =	vst v63  }
0x71: {  	_ =	swait.ge [sflag:s12], $0x4000  }
0x72: {  	[sflag:s12] =	ssyncset.done $0x0  }
0x73: {  	s7 =	rddreg [dreg:$0xe];
	[sflag:s12] =	ssyncadd.s32 $0xFFFFC000  }
0x74: {  	[hbm4b:s7+s3] =	stream.linear.scatter [tilespmem:s0], [sflag:$0x7], $0x4000, $0x38;
	[tilespmem:$0x104A0] =	vst v63  }
0x75: {  	_ =	swait.ge [sflag:s13], $0x4000  }
0x76: {  	[sflag:s13] =	ssyncset.done $0x0  }
0x77: {  	s17 =	rddreg [dreg:$0xf];
	[sflag:s13] =	ssyncadd.s32 $0xFFFFC000  }
0x78: {  	[hbm4b:s17+s3] =	stream.linear.scatter [tilespmem:s9], [sflag:$0x8], $0x4000, $0x38;
	[tilespmem:$0x104A0] =	vst v63  }
0x79: {  	s30 =	simm.s32 $0x8;
	s1 =	simm.s32 $0x0;
	s24 =	rddreg [dreg:$0x10]  }
0x7a: {  	[tilespmem:s25], [sflag:$0xA] =	stream.linear.gather [hbm4b:s24+s3], $0x200, $0x38;
	[tilespmem:$0x104A0] =	vst v63  }
.LBB2_2:
0x7b: {  	_ =	swait.ge [sflag:s26], $0x200  }
0x7c: {  	[sflag:s26] =	ssyncset.done $0x0  }
0x7d: {  	[sflag:s26] =	ssyncadd.s32 $0xFFFFFE00  }
0x7e: {  	_ =	swait.ge [sflag:s15], $0x4000  }
0x7f: {  	[sflag:s15] =	ssyncset.done $0x0  }
0x80: {  	[sflag:s15] =	ssyncadd.s32 $0xFFFFC000  }
0x81: {  	[tilespmem:s29], [sflag:$0x1] =	stream.indirect.gather [spmem:s2], $0x80, s23, s28, $0xb8;
	[tilespmem:$0x104A0] =	vst v63  }
0x82: {  	_ =	swait.ge [sflag:s16], $0x4000  }
0x83: {  	[sflag:s16] =	ssyncset.done $0x0  }
0x84: {  	s5 =	simm.s32 $0x120;
	[sflag:s16] =	ssyncadd.s32 $0xFFFFC000  }
0x85: {  	[tilespmem:s31], [sflag:$0x2] =	stream.indirect.gather [spmem:s2], $0x80, s5, s28, $0xb8;
	[tilespmem:$0x104A0] =	vst v63  }
0x86: {  	_ =	swait.ge [sflag:s19], $0x4000  }
0x87: {  	[sflag:s19] =	ssyncset.done $0x0  }
0x88: {  	s17 =	simm.s32 $0x1A0;
	[sflag:s19] =	ssyncadd.s32 $0xFFFFC000  }
0x89: {  	[tilespmem:s0], [sflag:$0x3] =	stream.indirect.gather [spmem:s2], $0x80, s17, s28, $0xb8;
	[tilespmem:$0x104A0] =	vst v63  }
0x8a: {  	_ =	swait.ge [sflag:s8], $0x4000  }
0x8b: {  	[sflag:s8] =	ssyncset.done $0x0  }
0x8c: {  	s24 =	simm.s32 $0x220;
	[sflag:s8] =	ssyncadd.s32 $0xFFFFC000  }
0x8d: {  	[tilespmem:s9], [sflag:$0x4] =	stream.indirect.gather [spmem:s2], $0x80, s24, s28, $0xb8;
	[tilespmem:$0x104A0] =	vst v63  }
0x8e: {  	_ =	swait.ge [sflag:s10], $0x4000  }
0x8f: {  	s7 =	sadd.s32 s1, s21;
	[sflag:s10] =	ssyncset.done $0x0  }
0x90: {  	s24 =	sadd.s32 $0x4000, s7;
	[sflag:s10] =	ssyncadd.s32 $0xFFFFC000  }
0x91: {  	[hbm4b:s24+s3] =	stream.linear.scatter [tilespmem:s29], [sflag:$0x5], $0x4000, $0x38;
	[tilespmem:$0x104A0] =	vst v63  }
0x92: {  	_ =	swait.ge [sflag:s11], $0x4000  }
0x93: {  	s24 =	sadd.s32 s1, s22;
	[sflag:s11] =	ssyncset.done $0x0  }
0x94: {  	s17 =	sadd.s32 $0x800, s24;
	[sflag:s11] =	ssyncadd.s32 $0xFFFFC000  }
0x95: {  	[hbm4b:s17+s3] =	stream.linear.scatter [tilespmem:s31], [sflag:$0x6], $0x4000, $0x38;
	[tilespmem:$0x104A0] =	vst v63  }
0x96: {  	_ =	swait.ge [sflag:s12], $0x4000  }
0x97: {  	p1 =	seq.s32 s1, $0x188000;
	[sflag:s12] =	ssyncset.done $0x0  }
0x98: {  	s5 =	sadd.s32 $0x1000, s24;
	s17 =	smin.u32 @!p1 s30, $0x314;
	[sflag:s12] =	ssyncadd.s32 $0xFFFFC000  }
0x99: {  	[hbm4b:s5+s3] =	stream.linear.scatter [tilespmem:s0], [sflag:$0x7], $0x4000, $0x38;
	[tilespmem:$0x104A0] =	vst v63  }
0x9a: {  	s17 =	sadd.s32 @!p1 $0x8, s17;
	s5 =	sadd.s32 $0x1800, s24  }
0x9b: {  	s24 =	sadd.s32 @!p1 s6, s17;
	s17 =	sshll.u32 @!p1 s17, $0x4;
	_ =	swait.ge [sflag:s13], $0x4000  }
0x9c: {  	s24 =	sshll.u32 @!p1 s24, $0x4;
	s17 =	sand.u32 @!p1 $0x40, s17;
	[sflag:s13] =	ssyncset.done $0x0  }
0x9d: {  	s24 =	sand.u32 @!p1 $0xFFF80, s24;
	s17 =	sadd.s32 @!p1 s4, s17;
	[sflag:s13] =	ssyncadd.s32 $0xFFFFC000  }
0x9e: {  	[hbm4b:s5+s3] =	stream.linear.scatter [tilespmem:s9], [sflag:$0x8], $0x4000, $0x38;
	[tilespmem:$0x104A0] =	vst v63  }
0x9f: {  	s17 =	sadd.s32 @!p1 s24, s17;
	s24 =	simm.s32 @!p1 $0x0;
	s5 =	simm.s32 @!p1 $0xA0  }
0xa0: {  	[tilespmem:s5], [sflag:$0x9] =	stream.linear.gather @!p1 [hbm4b:s17+s24], $0x200, $0x38;
	[tilespmem:$0x104A0] =	vst v63  }
0xa1: {  	_ =	swait.ge [sflag:s14], $0x200  }
0xa2: {  	[sflag:s14] =	ssyncset.done $0x0  }
0xa3: {  	[sflag:s14] =	ssyncadd.s32 $0xFFFFFE00  }
0xa4: {  	_ =	swait.ge [sflag:s15], $0x4000  }
0xa5: {  	[sflag:s15] =	ssyncset.done $0x0  }
0xa6: {  	[sflag:s15] =	ssyncadd.s32 $0xFFFFC000  }
0xa7: {  	[tilespmem:s29], [sflag:$0x1] =	stream.indirect.gather [spmem:s2], $0x80, s25, s28, $0xb8;
	[tilespmem:$0x104A0] =	vst v63  }
0xa8: {  	_ =	swait.ge [sflag:s16], $0x4000  }
0xa9: {  	[sflag:s16] =	ssyncset.done $0x0  }
0xaa: {  	s24 =	simm.s32 $0x320;
	[sflag:s16] =	ssyncadd.s32 $0xFFFFC000  }
0xab: {  	[tilespmem:s31], [sflag:$0x2] =	stream.indirect.gather [spmem:s2], $0x80, s24, s28, $0xb8;
	[tilespmem:$0x104A0] =	vst v63  }
0xac: {  	_ =	swait.ge [sflag:s19], $0x4000  }
0xad: {  	[sflag:s19] =	ssyncset.done $0x0  }
0xae: {  	s17 =	simm.s32 $0x3A0;
	[sflag:s19] =	ssyncadd.s32 $0xFFFFC000  }
0xaf: {  	[tilespmem:s0], [sflag:$0x3] =	stream.indirect.gather [spmem:s2], $0x80, s17, s28, $0xb8;
	[tilespmem:$0x104A0] =	vst v63  }
0xb0: {  	_ =	swait.ge [sflag:s8], $0x4000  }
0xb1: {  	[sflag:s8] =	ssyncset.done $0x0  }
0xb2: {  	s24 =	simm.s32 $0x420;
	[sflag:s8] =	ssyncadd.s32 $0xFFFFC000  }
0xb3: {  	[tilespmem:s9], [sflag:$0x4] =	stream.indirect.gather [spmem:s2], $0x80, s24, s28, $0xb8;
	[tilespmem:$0x104A0] =	vst v63  }
0xb4: {  	_ =	swait.ge [sflag:s10], $0x4000  }
0xb5: {  	[sflag:s10] =	ssyncset.done $0x0  }
0xb6: {  	s7 =	sadd.s32 $0x6000, s7;
	[sflag:s10] =	ssyncadd.s32 $0xFFFFC000  }
0xb7: {  	[hbm4b:s7+s3] =	stream.linear.scatter [tilespmem:s29], [sflag:$0x5], $0x4000, $0x38;
	[tilespmem:$0x104A0] =	vst v63  }
0xb8: {  	_ =	swait.ge [sflag:s11], $0x4000  }
0xb9: {  	s5 =	sadd.s32 s1, s20;
	[sflag:s11] =	ssyncset.done $0x0  }
0xba: {  	s17 =	sadd.s32 $0x800, s5;
	[sflag:s11] =	ssyncadd.s32 $0xFFFFC000  }
0xbb: {  	[hbm4b:s17+s3] =	stream.linear.scatter [tilespmem:s31], [sflag:$0x6], $0x4000, $0x38;
	[tilespmem:$0x104A0] =	vst v63  }
0xbc: {  	_ =	swait.ge [sflag:s12], $0x4000  }
0xbd: {  	[sflag:s12] =	ssyncset.done $0x0  }
0xbe: {  	s24 =	sadd.s32 $0x1000, s5;
	[sflag:s12] =	ssyncadd.s32 $0xFFFFC000  }
0xbf: {  	[hbm4b:s24+s3] =	stream.linear.scatter [tilespmem:s0], [sflag:$0x7], $0x4000, $0x38;
	[tilespmem:$0x104A0] =	vst v63  }
.Ltmp2:
0xc0: {  	_ = 	snop;
	(pc) =	sbr.rel @p1 .LBB2_4-.Ltmp2, $4  }
0xc1: {  	_ =	swait.ge [sflag:s13], $0x4000  }
0xc2: {  	[sflag:s13] =	ssyncset.done $0x0  }
0xc3: {  	s5 =	sadd.s32 $0x1800, s5;
	[sflag:s13] =	ssyncadd.s32 $0xFFFFC000  }
0xc4: {  	[hbm4b:s5+s3] =	stream.linear.scatter [tilespmem:s9], [sflag:$0x8], $0x4000, $0x38;
	[tilespmem:$0x104A0] =	vst v63  }
0xc5: {  	s5 =	smin.u32 s30, $0x310  }
.Ltmp3:
0xc6: {  	s5 =	sadd.s32 s5, s18;
	(pc) =	sbr.rel .LBB2_2-.Ltmp3, $4  }
0xc7: {  	s5 =	sshll.u32 s5, $0x4  }
0xc8: {  	s5 =	sand.u32 $0xFFFC0, s5  }
0xc9: {  	s1 =	sadd.s32 $0x4000, s1;
	s30 =	sadd.s32 $0x8, s30;
	s5 =	sadd.s32 s4, s5  }
0xca: {  	[tilespmem:s25], [sflag:$0xA] =	stream.linear.gather [hbm4b:s5+s3], $0x200, $0x38;
	[tilespmem:$0x104A0] =	vst v63  }
.LBB2_5:
0xcb: {  	_ =	sfence.sel $0x180000  }
0xcc: {  	[bflag:$0x0] =	sbarrier.arrive $0xFFFF  }
0xcd: {  	_ =	strace $0x90000047  }
0xce: {  	[bflag:$0x2] =	sbarrier.arrive $0xFFFF  }
0xcf: {  	s0 =	rddreg [dreg:$0x4]  }
0xd0: {  	s0 =	sadd.s32 @!p0 $0x100000, s0  }
0xd1: {  	[sflag:s0] =	ssyncadd.tile.s32 @!p0 $0x1;
	_ =	shalt  }
.Lfunc_end2:
_tile_overlayer_lowered:
.L_overlay_start_2:
0xd2: {  	(tag) =	ssettag $0x2  }
0xd3: {  	s0 =	rddreg [dreg:$0x0];
	s2 =	stileid.u32  }
0xd4: {  	s1 =	rddreg [dreg:$0x1];
	p0 =	sne.s32 s2, $0x0  }
0xd5: {  	s3 =	rddreg [dreg:$0x2];
	[bflag:$0x3] =	sbarrier.arrive $0xFFFF;
	s2 =	simm.s32 @!p0 $0x1C0B  }
0xd6: {  	[timem:s3], [sflag:s2] =	dma.local @!p0 [hbm:s0], s1  }
0xd7: {  	s0 =	simm.s32 @!p0 $0xB  }
0xd8: {  	_ =	swait.ge @!p0 [sflag:s0], s1  }
0xd9: {  	s1 =	ssub.s32 @!p0 $0x0, s1;
	[sflag:s0] =	ssyncset.done @!p0 $0x0  }
0xda: {  	[sflag:s0] =	ssyncadd.s32 @!p0 s1  }
0xdb: {  	[bflag:$0x3] =	sbarrier.arrive $0xFFFF  }
0xdc: {  	_ =	shalt  }

</sc_bundles>
